<compile_context>
chip_gen: v7x
topology: tpu7x:2x2x1
jax: 0.10.2.dev20260603
libtpu: 0.0.44.dev20260713+nightly
codegen_flags: <defaults>
</compile_context>

<pallas_src>
import functools

import jax
import jax.numpy as jnp
from jax import lax
from jax.experimental import pallas as pl
from jax.experimental.pallas import tpu as pltpu
from jax.experimental.pallas import tpu_sc as plsc

_EMB = 128
_HID = 256
_TYPE_VOCAB = 2
_B = 128
_S = 512
_NTOK = _B * _S
_LN_EPS = 1e-12

_NC = 2
_NS = 16
_NW = _NC * _NS
_ROWS_PER_W = _NTOK // _NW
_GATHER = 128
_CH_ROWS = 256
_GPC = _CH_ROWS // _GATHER
_NCHUNK = _ROWS_PER_W // _CH_ROWS


def _sc_gather_body(table_hbm, idx_hbm, out_hbm, idx_v, buf0, buf1,
                    gsem0, gsem1, wsem0, wsem1):
    wid = lax.axis_index("s") * _NC + lax.axis_index("c")
    base = wid * _ROWS_PER_W
    pltpu.sync_copy(idx_hbm.at[pl.ds(base, _ROWS_PER_W)], idx_v)

    bufs = (buf0, buf1)
    gsems = (gsem0, gsem1)
    wsems = (wsem0, wsem1)

    def start_gathers(c):
        b, s = bufs[c % 2], gsems[c % 2]
        return [
            pltpu.async_copy(
                table_hbm.at[idx_v.at[pl.ds(c * _CH_ROWS + g * _GATHER, _GATHER)]],
                b.at[pl.ds(g * _GATHER, _GATHER)], s)
            for g in range(_GPC)
        ]

    gdesc = {0: start_gathers(0)}
    wdesc = {}
    for c in range(_NCHUNK):
        if c + 1 < _NCHUNK:
            if c - 1 >= 0:
                wdesc[c - 1].wait()
            gdesc[c + 1] = start_gathers(c + 1)
        for d in gdesc[c]:
            d.wait()
        wdesc[c] = pltpu.async_copy(
            bufs[c % 2], out_hbm.at[pl.ds(base + c * _CH_ROWS, _CH_ROWS)],
            wsems[c % 2])
    for c in range(max(0, _NCHUNK - 2), _NCHUNK):
        wdesc[c].wait()


@functools.cache
def _sc_gather():
    return pl.kernel(
        _sc_gather_body,
        out_type=jax.ShapeDtypeStruct((_NTOK, _EMB), jnp.float32),
        mesh=plsc.VectorSubcoreMesh(core_axis_name="c", subcore_axis_name="s"),
        scratch_types=[
            pltpu.VMEM((_ROWS_PER_W,), jnp.int32),
            pltpu.VMEM((_CH_ROWS, _EMB), jnp.float32),
            pltpu.VMEM((_CH_ROWS, _EMB), jnp.float32),
            pltpu.SemaphoreType.DMA,
            pltpu.SemaphoreType.DMA,
            pltpu.SemaphoreType.DMA,
            pltpu.SemaphoreType.DMA,
        ],
    )


_SEQ_BLK = 16


def _tc_body(e_ref, pos_ref, type_ref, gamma_ref, beta_ref, w_ref, b_ref,
             out_ref):
    t = type_ref[...]
    e = e_ref[...] + pos_ref[...][None] + t[0][None, None, :]
    mu = jnp.mean(e, axis=-1, keepdims=True)
    d = e - mu
    var = jnp.mean(d * d, axis=-1, keepdims=True)
    n = d * lax.rsqrt(var + _LN_EPS)
    n = n * gamma_ref[...][None, None, :] + beta_ref[...][None, None, :]
    out = lax.dot_general(n, w_ref[...], (((2,), (0,)), ((), ())),
                          preferred_element_type=jnp.float32)
    out_ref[...] = out + b_ref[...][None, None, :]


def _tc_fuse(gathered, pos_emb, type_emb, ln_gamma, ln_beta, proj_W, proj_b):
    e3 = gathered.reshape(_B, _S, _EMB)
    return pl.pallas_call(
        _tc_body,
        grid=(_B // _SEQ_BLK,),
        in_specs=[
            pl.BlockSpec((_SEQ_BLK, _S, _EMB), lambda i: (i, 0, 0)),
            pl.BlockSpec((_S, _EMB), lambda i: (0, 0)),
            pl.BlockSpec((_TYPE_VOCAB, _EMB), lambda i: (0, 0)),
            pl.BlockSpec((_EMB,), lambda i: (0,)),
            pl.BlockSpec((_EMB,), lambda i: (0,)),
            pl.BlockSpec((_EMB, _HID), lambda i: (0, 0)),
            pl.BlockSpec((_HID,), lambda i: (0,)),
        ],
        out_specs=pl.BlockSpec((_SEQ_BLK, _S, _HID), lambda i: (i, 0, 0)),
        out_shape=jax.ShapeDtypeStruct((_B, _S, _HID), jnp.float32),
    )(e3, pos_emb, type_emb, ln_gamma, ln_beta, proj_W, proj_b)


def kernel(xs, word_emb, pos_emb, type_emb, ln_gamma, ln_beta, proj_W, proj_b):
    idx = xs.reshape(_NTOK)
    gathered = _sc_gather()(word_emb, idx)
    return _tc_fuse(gathered, pos_emb, type_emb, ln_gamma, ln_beta, proj_W,
                    proj_b)

# --- scband reference (transcript-rebuilt; emitter-appended) ---
"""Pipeline reference for scband-small-electra-etc-28501402976670 (READ-ONLY COPY).

The authoritative reference and input builder live on the scoring server;
editing this copy changes nothing except your own understanding.
"""

import jax, jax.numpy as jnp
import numpy as np

VOCAB = 30522
EMB = 128
HID = 256
MAXPOS = 512
TYPE_VOCAB = 2
B = 128
S = 512
LN_EPS = 1e-12


def setup_inputs(seed: int = 0) -> dict:
    key = jax.random.key(seed)
    ks = jax.random.split(key, 8)
    xs = jax.random.randint(ks[0], (B, S), 0, VOCAB, dtype=jnp.int32)
    word_emb = jax.random.normal(ks[1], (VOCAB, EMB), dtype=jnp.float32) * 0.02
    pos_emb = jax.random.normal(ks[2], (MAXPOS, EMB), dtype=jnp.float32) * 0.02
    type_emb = jax.random.normal(ks[3], (TYPE_VOCAB, EMB), dtype=jnp.float32) * 0.02
    ln_gamma = jnp.ones((EMB,), dtype=jnp.float32)
    ln_beta = jnp.zeros((EMB,), dtype=jnp.float32)
    proj_W = jax.random.normal(ks[4], (EMB, HID), dtype=jnp.float32) * 0.02
    proj_b = jnp.zeros((HID,), dtype=jnp.float32)
    return {
        "xs": xs,
        "word_emb": word_emb,
        "pos_emb": pos_emb,
        "type_emb": type_emb,
        "ln_gamma": ln_gamma,
        "ln_beta": ln_beta,
        "proj_W": proj_W,
        "proj_b": proj_b,
    }


def reference(xs, word_emb, pos_emb, type_emb, ln_gamma, ln_beta, proj_W, proj_b):
    # ElectraEmbeddings: word + position + token_type embeddings, then LayerNorm
    seq_len = xs.shape[1]
    e = jnp.take(word_emb, xs, axis=0)                       # [B, S, EMB] gather
    e = e + pos_emb[:seq_len][None, :, :]                    # position embeddings
    e = e + type_emb[0][None, None, :]                       # token_type_ids = 0
    mu = jnp.mean(e, axis=-1, keepdims=True)
    var = jnp.var(e, axis=-1, keepdims=True)
    e = (e - mu) / jnp.sqrt(var + LN_EPS) * ln_gamma + ln_beta
    # embedding_project: Linear(EMB -> HID) (Electra embedding_size != hidden_size)
    out = jnp.einsum('bse,eh->bsh', e, proj_W) + proj_b      # [B, S, HID]
    return out

if __name__ == "__main__":
    import jax
    _d = setup_inputs()
    print(jax.jit(kernel)(*tuple(_d.values())))

</pallas_src>

<mosaic_0001>
#map = affine_map<(d0, d1) -> (0, 0)>
#map1 = affine_map<(d0, d1) -> (0)>
module attributes {stable_mosaic.version = 14 : i64} {
  func.func @_sc_gather_body(%arg0: i32, %arg1: i32, %arg2: memref<30522x128xf32, #tpu.memory_space<hbm>>, %arg3: memref<65536xi32, #tpu.memory_space<hbm>>, %arg4: memref<65536x128xf32, #tpu.memory_space<hbm>>, %arg5: memref<2048xi32, #tpu.memory_space<vmem>>, %arg6: memref<256x128xf32, #tpu.memory_space<vmem>>, %arg7: memref<256x128xf32, #tpu.memory_space<vmem>>, %arg8: memref<!tpu.dma_semaphore, #tpu.memory_space<semaphore_mem>>, %arg9: memref<!tpu.dma_semaphore, #tpu.memory_space<semaphore_mem>>, %arg10: memref<!tpu.dma_semaphore, #tpu.memory_space<semaphore_mem>>, %arg11: memref<!tpu.dma_semaphore, #tpu.memory_space<semaphore_mem>>) attributes {dimension_semantics = [#tpu.dimension_semantics<core_parallel>, #tpu.dimension_semantics<subcore_parallel>], iteration_bounds = array<i64: 2, 16>, scalar_prefetch = 0 : i64, scratch_operands = 7 : i64, tpu.core_type = #tpu.core_type<sc_vector_subcore>, window_params = [{transform_indices = #map}, {transform_indices = #map1}, {transform_indices = #map}]} {
    %mul3A = arith.constant 2 : i32
    %mul3A_0 = arith.muli %arg1, %mul3A : i32
    %add3A = arith.addi %mul3A_0, %arg0 : i32
    %mul3A_1 = arith.constant 2048 : i32
    %mul3A_2 = arith.muli %add3A, %mul3A_1 : i32
    "tpu.region"() ({
      %run_scoped3A = tpu.sem_alloc : memref<!tpu.dma_semaphore, #tpu.memory_space<semaphore_mem>>
      %dma_start3A_337 = tpu.memref_slice %arg3[%mul3A_2] : memref<65536xi32, #tpu.memory_space<hbm>> -> memref<2048xi32, #tpu.memory_space<hbm>>
      %dma_start3A_338 = tpu.memref_slice %arg3[%mul3A_2] : memref<65536xi32, #tpu.memory_space<hbm>> -> memref<2048xi32, #tpu.memory_space<hbm>>
      tpu.enqueue_dma source(%dma_start3A_338 : memref<2048xi32, #tpu.memory_space<hbm>>) target(%arg5 : memref<2048xi32, #tpu.memory_space<vmem>>) target_semaphore(%run_scoped3A : memref<!tpu.dma_semaphore, #tpu.memory_space<semaphore_mem>>)
      %dma_wait3A_339 = tpu.memref_slice %arg3[%mul3A_2] : memref<65536xi32, #tpu.memory_space<hbm>> -> memref<2048xi32, #tpu.memory_space<hbm>>
      %dma_wait3A_340 = tpu.memref_slice %arg3[%mul3A_2] : memref<65536xi32, #tpu.memory_space<hbm>> -> memref<2048xi32, #tpu.memory_space<hbm>>
      tpu.wait_dma2 semaphore(%run_scoped3A : memref<!tpu.dma_semaphore, #tpu.memory_space<semaphore_mem>>) src(%dma_wait3A_340 : memref<2048xi32, #tpu.memory_space<hbm>>) dst(%arg5 : memref<2048xi32, #tpu.memory_space<vmem>>)
      tpu.yield
    }) : () -> ()
    %dma_start3A = arith.constant 0 : i32
    %dma_start3A_3 = arith.constant 0 : i32
    %dma_start3A_4 = tpu.memref_slice %arg6[%dma_start3A, %dma_start3A_3] : memref<256x128xf32, #tpu.memory_space<vmem>> -> memref<128x128xf32, #tpu.memory_space<vmem>>
    %dma_start3A_5 = arith.constant 0 : i32
    %dma_start3A_6 = tpu.memref_slice %arg5[%dma_start3A_5] : memref<2048xi32, #tpu.memory_space<vmem>> -> memref<128xi32, #tpu.memory_space<vmem>>
    %dma_start3A_7 = arith.constant 0 : i32
    %dma_start3A_8 = arith.constant 0 : i32
    %dma_start3A_9 = tpu.memref_slice %arg2[%dma_start3A_7, %dma_start3A_8] : memref<30522x128xf32, #tpu.memory_space<hbm>> -> memref<30522x128xf32, #tpu.memory_space<hbm>>
    tpu.enqueue_indirect_dma source(%dma_start3A_9 : memref<30522x128xf32, #tpu.memory_space<hbm>>) target(%dma_start3A_4 : memref<128x128xf32, #tpu.memory_space<vmem>>) offsets(%dma_start3A_6 : memref<128xi32, #tpu.memory_space<vmem>>) semaphore(%arg8 : memref<!tpu.dma_semaphore, #tpu.memory_space<semaphore_mem>>)
    %dma_start3A_10 = arith.constant 128 : i32
    %dma_start3A_11 = arith.constant 0 : i32
    %dma_start3A_12 = tpu.memref_slice %arg6[%dma_start3A_10, %dma_start3A_11] : memref<256x128xf32, #tpu.memory_space<vmem>> -> memref<128x128xf32, #tpu.memory_space<vmem>>
    %dma_start3A_13 = arith.constant 128 : i32
    %dma_start3A_14 = tpu.memref_slice %arg5[%dma_start3A_13] : memref<2048xi32, #tpu.memory_space<vmem>> -> memref<128xi32, #tpu.memory_space<vmem>>
    %dma_start3A_15 = arith.constant 0 : i32
    %dma_start3A_16 = arith.constant 0 : i32
    %dma_start3A_17 = tpu.memref_slice %arg2[%dma_start3A_15, %dma_start3A_16] : memref<30522x128xf32, #tpu.memory_space<hbm>> -> memref<30522x128xf32, #tpu.memory_space<hbm>>
    tpu.enqueue_indirect_dma source(%dma_start3A_17 : memref<30522x128xf32, #tpu.memory_space<hbm>>) target(%dma_start3A_12 : memref<128x128xf32, #tpu.memory_space<vmem>>) offsets(%dma_start3A_14 : memref<128xi32, #tpu.memory_space<vmem>>) semaphore(%arg8 : memref<!tpu.dma_semaphore, #tpu.memory_space<semaphore_mem>>)
    %dma_start3A_18 = arith.constant 0 : i32
    %dma_start3A_19 = arith.constant 0 : i32
    %dma_start3A_20 = tpu.memref_slice %arg7[%dma_start3A_18, %dma_start3A_19] : memref<256x128xf32, #tpu.memory_space<vmem>> -> memref<128x128xf32, #tpu.memory_space<vmem>>
    %dma_start3A_21 = arith.constant 256 : i32
    %dma_start3A_22 = tpu.memref_slice %arg5[%dma_start3A_21] : memref<2048xi32, #tpu.memory_space<vmem>> -> memref<128xi32, #tpu.memory_space<vmem>>
    %dma_start3A_23 = arith.constant 0 : i32
    %dma_start3A_24 = arith.constant 0 : i32
    %dma_start3A_25 = tpu.memref_slice %arg2[%dma_start3A_23, %dma_start3A_24] : memref<30522x128xf32, #tpu.memory_space<hbm>> -> memref<30522x128xf32, #tpu.memory_space<hbm>>
    tpu.enqueue_indirect_dma source(%dma_start3A_25 : memref<30522x128xf32, #tpu.memory_space<hbm>>) target(%dma_start3A_20 : memref<128x128xf32, #tpu.memory_space<vmem>>) offsets(%dma_start3A_22 : memref<128xi32, #tpu.memory_space<vmem>>) semaphore(%arg9 : memref<!tpu.dma_semaphore, #tpu.memory_space<semaphore_mem>>)
    %dma_start3A_26 = arith.constant 128 : i32
    %dma_start3A_27 = arith.constant 0 : i32
    %dma_start3A_28 = tpu.memref_slice %arg7[%dma_start3A_26, %dma_start3A_27] : memref<256x128xf32, #tpu.memory_space<vmem>> -> memref<128x128xf32, #tpu.memory_space<vmem>>
    %dma_start3A_29 = arith.constant 384 : i32
    %dma_start3A_30 = tpu.memref_slice %arg5[%dma_start3A_29] : memref<2048xi32, #tpu.memory_space<vmem>> -> memref<128xi32, #tpu.memory_space<vmem>>
    %dma_start3A_31 = arith.constant 0 : i32
    %dma_start3A_32 = arith.constant 0 : i32
    %dma_start3A_33 = tpu.memref_slice %arg2[%dma_start3A_31, %dma_start3A_32] : memref<30522x128xf32, #tpu.memory_space<hbm>> -> memref<30522x128xf32, #tpu.memory_space<hbm>>
    tpu.enqueue_indirect_dma source(%dma_start3A_33 : memref<30522x128xf32, #tpu.memory_space<hbm>>) target(%dma_start3A_28 : memref<128x128xf32, #tpu.memory_space<vmem>>) offsets(%dma_start3A_30 : memref<128xi32, #tpu.memory_space<vmem>>) semaphore(%arg9 : memref<!tpu.dma_semaphore, #tpu.memory_space<semaphore_mem>>)
    %dma_wait3A = arith.constant 0 : i32
    %dma_wait3A_34 = arith.constant 0 : i32
    %dma_wait3A_35 = tpu.memref_slice %arg6[%dma_wait3A, %dma_wait3A_34] : memref<256x128xf32, #tpu.memory_space<vmem>> -> memref<128x128xf32, #tpu.memory_space<vmem>>
    %dma_wait3A_36 = arith.constant 0 : i32
    %dma_wait3A_37 = tpu.memref_slice %arg5[%dma_wait3A_36] : memref<2048xi32, #tpu.memory_space<vmem>> -> memref<128xi32, #tpu.memory_space<vmem>>
    %dma_wait3A_38 = arith.constant 0 : i32
    %dma_wait3A_39 = arith.constant 0 : i32
    %dma_wait3A_40 = tpu.memref_slice %arg2[%dma_wait3A_38, %dma_wait3A_39] : memref<30522x128xf32, #tpu.memory_space<hbm>> -> memref<30522x128xf32, #tpu.memory_space<hbm>>
    tpu.wait_indirect_dma semaphore(%arg8 : memref<!tpu.dma_semaphore, #tpu.memory_space<semaphore_mem>>) src(%dma_wait3A_40 : memref<30522x128xf32, #tpu.memory_space<hbm>>) dst(%dma_wait3A_35 : memref<128x128xf32, #tpu.memory_space<vmem>>)
    %dma_wait3A_41 = arith.constant 128 : i32
    %dma_wait3A_42 = arith.constant 0 : i32
    %dma_wait3A_43 = tpu.memref_slice %arg6[%dma_wait3A_41, %dma_wait3A_42] : memref<256x128xf32, #tpu.memory_space<vmem>> -> memref<128x128xf32, #tpu.memory_space<vmem>>
    %dma_wait3A_44 = arith.constant 128 : i32
    %dma_wait3A_45 = tpu.memref_slice %arg5[%dma_wait3A_44] : memref<2048xi32, #tpu.memory_space<vmem>> -> memref<128xi32, #tpu.memory_space<vmem>>
    %dma_wait3A_46 = arith.constant 0 : i32
    %dma_wait3A_47 = arith.constant 0 : i32
    %dma_wait3A_48 = tpu.memref_slice %arg2[%dma_wait3A_46, %dma_wait3A_47] : memref<30522x128xf32, #tpu.memory_space<hbm>> -> memref<30522x128xf32, #tpu.memory_space<hbm>>
    tpu.wait_indirect_dma semaphore(%arg8 : memref<!tpu.dma_semaphore, #tpu.memory_space<semaphore_mem>>) src(%dma_wait3A_48 : memref<30522x128xf32, #tpu.memory_space<hbm>>) dst(%dma_wait3A_43 : memref<128x128xf32, #tpu.memory_space<vmem>>)
    %add3A_49 = arith.constant 0 : i32
    %add3A_50 = arith.addi %mul3A_2, %add3A_49 : i32
    %dma_start3A_51 = arith.constant 0 : i32
    %dma_start3A_52 = tpu.memref_slice %arg4[%add3A_50, %dma_start3A_51] : memref<65536x128xf32, #tpu.memory_space<hbm>> -> memref<256x128xf32, #tpu.memory_space<hbm>>
    %dma_start3A_53 = arith.constant 0 : i32
    %dma_start3A_54 = tpu.memref_slice %arg4[%add3A_50, %dma_start3A_53] : memref<65536x128xf32, #tpu.memory_space<hbm>> -> memref<256x128xf32, #tpu.memory_space<hbm>>
    tpu.enqueue_dma source(%arg6 : memref<256x128xf32, #tpu.memory_space<vmem>>) target(%dma_start3A_54 : memref<256x128xf32, #tpu.memory_space<hbm>>) target_semaphore(%arg10 : memref<!tpu.dma_semaphore, #tpu.memory_space<semaphore_mem>>)
    %dma_wait3A_55 = arith.constant 0 : i32
    %dma_wait3A_56 = tpu.memref_slice %arg4[%add3A_50, %dma_wait3A_55] : memref<65536x128xf32, #tpu.memory_space<hbm>> -> memref<256x128xf32, #tpu.memory_space<hbm>>
    %dma_wait3A_57 = arith.constant 0 : i32
    %dma_wait3A_58 = tpu.memref_slice %arg4[%add3A_50, %dma_wait3A_57] : memref<65536x128xf32, #tpu.memory_space<hbm>> -> memref<256x128xf32, #tpu.memory_space<hbm>>
    tpu.wait_dma2 semaphore(%arg10 : memref<!tpu.dma_semaphore, #tpu.memory_space<semaphore_mem>>) src(%arg6 : memref<256x128xf32, #tpu.memory_space<vmem>>) dst(%dma_wait3A_58 : memref<256x128xf32, #tpu.memory_space<hbm>>)
    %dma_start3A_59 = arith.constant 0 : i32
    %dma_start3A_60 = arith.constant 0 : i32
    %dma_start3A_61 = tpu.memref_slice %arg6[%dma_start3A_59, %dma_start3A_60] : memref<256x128xf32, #tpu.memory_space<vmem>> -> memref<128x128xf32, #tpu.memory_space<vmem>>
    %dma_start3A_62 = arith.constant 512 : i32
    %dma_start3A_63 = tpu.memref_slice %arg5[%dma_start3A_62] : memref<2048xi32, #tpu.memory_space<vmem>> -> memref<128xi32, #tpu.memory_space<vmem>>
    %dma_start3A_64 = arith.constant 0 : i32
    %dma_start3A_65 = arith.constant 0 : i32
    %dma_start3A_66 = tpu.memref_slice %arg2[%dma_start3A_64, %dma_start3A_65] : memref<30522x128xf32, #tpu.memory_space<hbm>> -> memref<30522x128xf32, #tpu.memory_space<hbm>>
    tpu.enqueue_indirect_dma source(%dma_start3A_66 : memref<30522x128xf32, #tpu.memory_space<hbm>>) target(%dma_start3A_61 : memref<128x128xf32, #tpu.memory_space<vmem>>) offsets(%dma_start3A_63 : memref<128xi32, #tpu.memory_space<vmem>>) semaphore(%arg8 : memref<!tpu.dma_semaphore, #tpu.memory_space<semaphore_mem>>)
    %dma_start3A_67 = arith.constant 128 : i32
    %dma_start3A_68 = arith.constant 0 : i32
    %dma_start3A_69 = tpu.memref_slice %arg6[%dma_start3A_67, %dma_start3A_68] : memref<256x128xf32, #tpu.memory_space<vmem>> -> memref<128x128xf32, #tpu.memory_space<vmem>>
    %dma_start3A_70 = arith.constant 640 : i32
    %dma_start3A_71 = tpu.memref_slice %arg5[%dma_start3A_70] : memref<2048xi32, #tpu.memory_space<vmem>> -> memref<128xi32, #tpu.memory_space<vmem>>
    %dma_start3A_72 = arith.constant 0 : i32
    %dma_start3A_73 = arith.constant 0 : i32
    %dma_start3A_74 = tpu.memref_slice %arg2[%dma_start3A_72, %dma_start3A_73] : memref<30522x128xf32, #tpu.memory_space<hbm>> -> memref<30522x128xf32, #tpu.memory_space<hbm>>
    tpu.enqueue_indirect_dma source(%dma_start3A_74 : memref<30522x128xf32, #tpu.memory_space<hbm>>) target(%dma_start3A_69 : memref<128x128xf32, #tpu.memory_space<vmem>>) offsets(%dma_start3A_71 : memref<128xi32, #tpu.memory_space<vmem>>) semaphore(%arg8 : memref<!tpu.dma_semaphore, #tpu.memory_space<semaphore_mem>>)
    %dma_wait3A_75 = arith.constant 0 : i32
    %dma_wait3A_76 = arith.constant 0 : i32
    %dma_wait3A_77 = tpu.memref_slice %arg7[%dma_wait3A_75, %dma_wait3A_76] : memref<256x128xf32, #tpu.memory_space<vmem>> -> memref<128x128xf32, #tpu.memory_space<vmem>>
    %dma_wait3A_78 = arith.constant 256 : i32
    %dma_wait3A_79 = tpu.memref_slice %arg5[%dma_wait3A_78] : memref<2048xi32, #tpu.memory_space<vmem>> -> memref<128xi32, #tpu.memory_space<vmem>>
    %dma_wait3A_80 = arith.constant 0 : i32
    %dma_wait3A_81 = arith.constant 0 : i32
    %dma_wait3A_82 = tpu.memref_slice %arg2[%dma_wait3A_80, %dma_wait3A_81] : memref<30522x128xf32, #tpu.memory_space<hbm>> -> memref<30522x128xf32, #tpu.memory_space<hbm>>
    tpu.wait_indirect_dma semaphore(%arg9 : memref<!tpu.dma_semaphore, #tpu.memory_space<semaphore_mem>>) src(%dma_wait3A_82 : memref<30522x128xf32, #tpu.memory_space<hbm>>) dst(%dma_wait3A_77 : memref<128x128xf32, #tpu.memory_space<vmem>>)
    %dma_wait3A_83 = arith.constant 128 : i32
    %dma_wait3A_84 = arith.constant 0 : i32
    %dma_wait3A_85 = tpu.memref_slice %arg7[%dma_wait3A_83, %dma_wait3A_84] : memref<256x128xf32, #tpu.memory_space<vmem>> -> memref<128x128xf32, #tpu.memory_space<vmem>>
    %dma_wait3A_86 = arith.constant 384 : i32
    %dma_wait3A_87 = tpu.memref_slice %arg5[%dma_wait3A_86] : memref<2048xi32, #tpu.memory_space<vmem>> -> memref<128xi32, #tpu.memory_space<vmem>>
    %dma_wait3A_88 = arith.constant 0 : i32
    %dma_wait3A_89 = arith.constant 0 : i32
    %dma_wait3A_90 = tpu.memref_slice %arg2[%dma_wait3A_88, %dma_wait3A_89] : memref<30522x128xf32, #tpu.memory_space<hbm>> -> memref<30522x128xf32, #tpu.memory_space<hbm>>
    tpu.wait_indirect_dma semaphore(%arg9 : memref<!tpu.dma_semaphore, #tpu.memory_space<semaphore_mem>>) src(%dma_wait3A_90 : memref<30522x128xf32, #tpu.memory_space<hbm>>) dst(%dma_wait3A_85 : memref<128x128xf32, #tpu.memory_space<vmem>>)
    %add3A_91 = arith.constant 256 : i32
    %add3A_92 = arith.addi %mul3A_2, %add3A_91 : i32
    %dma_start3A_93 = arith.constant 0 : i32
    %dma_start3A_94 = tpu.memref_slice %arg4[%add3A_92, %dma_start3A_93] : memref<65536x128xf32, #tpu.memory_space<hbm>> -> memref<256x128xf32, #tpu.memory_space<hbm>>
    %dma_start3A_95 = arith.constant 0 : i32
    %dma_start3A_96 = tpu.memref_slice %arg4[%add3A_92, %dma_start3A_95] : memref<65536x128xf32, #tpu.memory_space<hbm>> -> memref<256x128xf32, #tpu.memory_space<hbm>>
    tpu.enqueue_dma source(%arg7 : memref<256x128xf32, #tpu.memory_space<vmem>>) target(%dma_start3A_96 : memref<256x128xf32, #tpu.memory_space<hbm>>) target_semaphore(%arg11 : memref<!tpu.dma_semaphore, #tpu.memory_space<semaphore_mem>>)
    %dma_wait3A_97 = arith.constant 0 : i32
    %dma_wait3A_98 = tpu.memref_slice %arg4[%add3A_92, %dma_wait3A_97] : memref<65536x128xf32, #tpu.memory_space<hbm>> -> memref<256x128xf32, #tpu.memory_space<hbm>>
    %dma_wait3A_99 = arith.constant 0 : i32
    %dma_wait3A_100 = tpu.memref_slice %arg4[%add3A_92, %dma_wait3A_99] : memref<65536x128xf32, #tpu.memory_space<hbm>> -> memref<256x128xf32, #tpu.memory_space<hbm>>
    tpu.wait_dma2 semaphore(%arg11 : memref<!tpu.dma_semaphore, #tpu.memory_space<semaphore_mem>>) src(%arg7 : memref<256x128xf32, #tpu.memory_space<vmem>>) dst(%dma_wait3A_100 : memref<256x128xf32, #tpu.memory_space<hbm>>)
    %dma_start3A_101 = arith.constant 0 : i32
    %dma_start3A_102 = arith.constant 0 : i32
    %dma_start3A_103 = tpu.memref_slice %arg7[%dma_start3A_101, %dma_start3A_102] : memref<256x128xf32, #tpu.memory_space<vmem>> -> memref<128x128xf32, #tpu.memory_space<vmem>>
    %dma_start3A_104 = arith.constant 768 : i32
    %dma_start3A_105 = tpu.memref_slice %arg5[%dma_start3A_104] : memref<2048xi32, #tpu.memory_space<vmem>> -> memref<128xi32, #tpu.memory_space<vmem>>
    %dma_start3A_106 = arith.constant 0 : i32
    %dma_start3A_107 = arith.constant 0 : i32
    %dma_start3A_108 = tpu.memref_slice %arg2[%dma_start3A_106, %dma_start3A_107] : memref<30522x128xf32, #tpu.memory_space<hbm>> -> memref<30522x128xf32, #tpu.memory_space<hbm>>
    tpu.enqueue_indirect_dma source(%dma_start3A_108 : memref<30522x128xf32, #tpu.memory_space<hbm>>) target(%dma_start3A_103 : memref<128x128xf32, #tpu.memory_space<vmem>>) offsets(%dma_start3A_105 : memref<128xi32, #tpu.memory_space<vmem>>) semaphore(%arg9 : memref<!tpu.dma_semaphore, #tpu.memory_space<semaphore_mem>>)
    %dma_start3A_109 = arith.constant 128 : i32
    %dma_start3A_110 = arith.constant 0 : i32
    %dma_start3A_111 = tpu.memref_slice %arg7[%dma_start3A_109, %dma_start3A_110] : memref<256x128xf32, #tpu.memory_space<vmem>> -> memref<128x128xf32, #tpu.memory_space<vmem>>
    %dma_start3A_112 = arith.constant 896 : i32
    %dma_start3A_113 = tpu.memref_slice %arg5[%dma_start3A_112] : memref<2048xi32, #tpu.memory_space<vmem>> -> memref<128xi32, #tpu.memory_space<vmem>>
    %dma_start3A_114 = arith.constant 0 : i32
    %dma_start3A_115 = arith.constant 0 : i32
    %dma_start3A_116 = tpu.memref_slice %arg2[%dma_start3A_114, %dma_start3A_115] : memref<30522x128xf32, #tpu.memory_space<hbm>> -> memref<30522x128xf32, #tpu.memory_space<hbm>>
    tpu.enqueue_indirect_dma source(%dma_start3A_116 : memref<30522x128xf32, #tpu.memory_space<hbm>>) target(%dma_start3A_111 : memref<128x128xf32, #tpu.memory_space<vmem>>) offsets(%dma_start3A_113 : memref<128xi32, #tpu.memory_space<vmem>>) semaphore(%arg9 : memref<!tpu.dma_semaphore, #tpu.memory_space<semaphore_mem>>)
    %dma_wait3A_117 = arith.constant 0 : i32
    %dma_wait3A_118 = arith.constant 0 : i32
    %dma_wait3A_119 = tpu.memref_slice %arg6[%dma_wait3A_117, %dma_wait3A_118] : memref<256x128xf32, #tpu.memory_space<vmem>> -> memref<128x128xf32, #tpu.memory_space<vmem>>
    %dma_wait3A_120 = arith.constant 512 : i32
    %dma_wait3A_121 = tpu.memref_slice %arg5[%dma_wait3A_120] : memref<2048xi32, #tpu.memory_space<vmem>> -> memref<128xi32, #tpu.memory_space<vmem>>
    %dma_wait3A_122 = arith.constant 0 : i32
    %dma_wait3A_123 = arith.constant 0 : i32
    %dma_wait3A_124 = tpu.memref_slice %arg2[%dma_wait3A_122, %dma_wait3A_123] : memref<30522x128xf32, #tpu.memory_space<hbm>> -> memref<30522x128xf32, #tpu.memory_space<hbm>>
    tpu.wait_indirect_dma semaphore(%arg8 : memref<!tpu.dma_semaphore, #tpu.memory_space<semaphore_mem>>) src(%dma_wait3A_124 : memref<30522x128xf32, #tpu.memory_space<hbm>>) dst(%dma_wait3A_119 : memref<128x128xf32, #tpu.memory_space<vmem>>)
    %dma_wait3A_125 = arith.constant 128 : i32
    %dma_wait3A_126 = arith.constant 0 : i32
    %dma_wait3A_127 = tpu.memref_slice %arg6[%dma_wait3A_125, %dma_wait3A_126] : memref<256x128xf32, #tpu.memory_space<vmem>> -> memref<128x128xf32, #tpu.memory_space<vmem>>
    %dma_wait3A_128 = arith.constant 640 : i32
    %dma_wait3A_129 = tpu.memref_slice %arg5[%dma_wait3A_128] : memref<2048xi32, #tpu.memory_space<vmem>> -> memref<128xi32, #tpu.memory_space<vmem>>
    %dma_wait3A_130 = arith.constant 0 : i32
    %dma_wait3A_131 = arith.constant 0 : i32
    %dma_wait3A_132 = tpu.memref_slice %arg2[%dma_wait3A_130, %dma_wait3A_131] : memref<30522x128xf32, #tpu.memory_space<hbm>> -> memref<30522x128xf32, #tpu.memory_space<hbm>>
    tpu.wait_indirect_dma semaphore(%arg8 : memref<!tpu.dma_semaphore, #tpu.memory_space<semaphore_mem>>) src(%dma_wait3A_132 : memref<30522x128xf32, #tpu.memory_space<hbm>>) dst(%dma_wait3A_127 : memref<128x128xf32, #tpu.memory_space<vmem>>)
    %add3A_133 = arith.constant 512 : i32
    %add3A_134 = arith.addi %mul3A_2, %add3A_133 : i32
    %dma_start3A_135 = arith.constant 0 : i32
    %dma_start3A_136 = tpu.memref_slice %arg4[%add3A_134, %dma_start3A_135] : memref<65536x128xf32, #tpu.memory_space<hbm>> -> memref<256x128xf32, #tpu.memory_space<hbm>>
    %dma_start3A_137 = arith.constant 0 : i32
    %dma_start3A_138 = tpu.memref_slice %arg4[%add3A_134, %dma_start3A_137] : memref<65536x128xf32, #tpu.memory_space<hbm>> -> memref<256x128xf32, #tpu.memory_space<hbm>>
    tpu.enqueue_dma source(%arg6 : memref<256x128xf32, #tpu.memory_space<vmem>>) target(%dma_start3A_138 : memref<256x128xf32, #tpu.memory_space<hbm>>) target_semaphore(%arg10 : memref<!tpu.dma_semaphore, #tpu.memory_space<semaphore_mem>>)
    %dma_wait3A_139 = arith.constant 0 : i32
    %dma_wait3A_140 = tpu.memref_slice %arg4[%add3A_134, %dma_wait3A_139] : memref<65536x128xf32, #tpu.memory_space<hbm>> -> memref<256x128xf32, #tpu.memory_space<hbm>>
    %dma_wait3A_141 = arith.constant 0 : i32
    %dma_wait3A_142 = tpu.memref_slice %arg4[%add3A_134, %dma_wait3A_141] : memref<65536x128xf32, #tpu.memory_space<hbm>> -> memref<256x128xf32, #tpu.memory_space<hbm>>
    tpu.wait_dma2 semaphore(%arg10 : memref<!tpu.dma_semaphore, #tpu.memory_space<semaphore_mem>>) src(%arg6 : memref<256x128xf32, #tpu.memory_space<vmem>>) dst(%dma_wait3A_142 : memref<256x128xf32, #tpu.memory_space<hbm>>)
    %dma_start3A_143 = arith.constant 0 : i32
    %dma_start3A_144 = arith.constant 0 : i32
    %dma_start3A_145 = tpu.memref_slice %arg6[%dma_start3A_143, %dma_start3A_144] : memref<256x128xf32, #tpu.memory_space<vmem>> -> memref<128x128xf32, #tpu.memory_space<vmem>>
    %dma_start3A_146 = arith.constant 1024 : i32
    %dma_start3A_147 = tpu.memref_slice %arg5[%dma_start3A_146] : memref<2048xi32, #tpu.memory_space<vmem>> -> memref<128xi32, #tpu.memory_space<vmem>>
    %dma_start3A_148 = arith.constant 0 : i32
    %dma_start3A_149 = arith.constant 0 : i32
    %dma_start3A_150 = tpu.memref_slice %arg2[%dma_start3A_148, %dma_start3A_149] : memref<30522x128xf32, #tpu.memory_space<hbm>> -> memref<30522x128xf32, #tpu.memory_space<hbm>>
    tpu.enqueue_indirect_dma source(%dma_start3A_150 : memref<30522x128xf32, #tpu.memory_space<hbm>>) target(%dma_start3A_145 : memref<128x128xf32, #tpu.memory_space<vmem>>) offsets(%dma_start3A_147 : memref<128xi32, #tpu.memory_space<vmem>>) semaphore(%arg8 : memref<!tpu.dma_semaphore, #tpu.memory_space<semaphore_mem>>)
    %dma_start3A_151 = arith.constant 128 : i32
    %dma_start3A_152 = arith.constant 0 : i32
    %dma_start3A_153 = tpu.memref_slice %arg6[%dma_start3A_151, %dma_start3A_152] : memref<256x128xf32, #tpu.memory_space<vmem>> -> memref<128x128xf32, #tpu.memory_space<vmem>>
    %dma_start3A_154 = arith.constant 1152 : i32
    %dma_start3A_155 = tpu.memref_slice %arg5[%dma_start3A_154] : memref<2048xi32, #tpu.memory_space<vmem>> -> memref<128xi32, #tpu.memory_space<vmem>>
    %dma_start3A_156 = arith.constant 0 : i32
    %dma_start3A_157 = arith.constant 0 : i32
    %dma_start3A_158 = tpu.memref_slice %arg2[%dma_start3A_156, %dma_start3A_157] : memref<30522x128xf32, #tpu.memory_space<hbm>> -> memref<30522x128xf32, #tpu.memory_space<hbm>>
    tpu.enqueue_indirect_dma source(%dma_start3A_158 : memref<30522x128xf32, #tpu.memory_space<hbm>>) target(%dma_start3A_153 : memref<128x128xf32, #tpu.memory_space<vmem>>) offsets(%dma_start3A_155 : memref<128xi32, #tpu.memory_space<vmem>>) semaphore(%arg8 : memref<!tpu.dma_semaphore, #tpu.memory_space<semaphore_mem>>)
    %dma_wait3A_159 = arith.constant 0 : i32
    %dma_wait3A_160 = arith.constant 0 : i32
    %dma_wait3A_161 = tpu.memref_slice %arg7[%dma_wait3A_159, %dma_wait3A_160] : memref<256x128xf32, #tpu.memory_space<vmem>> -> memref<128x128xf32, #tpu.memory_space<vmem>>
    %dma_wait3A_162 = arith.constant 768 : i32
    %dma_wait3A_163 = tpu.memref_slice %arg5[%dma_wait3A_162] : memref<2048xi32, #tpu.memory_space<vmem>> -> memref<128xi32, #tpu.memory_space<vmem>>
    %dma_wait3A_164 = arith.constant 0 : i32
    %dma_wait3A_165 = arith.constant 0 : i32
    %dma_wait3A_166 = tpu.memref_slice %arg2[%dma_wait3A_164, %dma_wait3A_165] : memref<30522x128xf32, #tpu.memory_space<hbm>> -> memref<30522x128xf32, #tpu.memory_space<hbm>>
    tpu.wait_indirect_dma semaphore(%arg9 : memref<!tpu.dma_semaphore, #tpu.memory_space<semaphore_mem>>) src(%dma_wait3A_166 : memref<30522x128xf32, #tpu.memory_space<hbm>>) dst(%dma_wait3A_161 : memref<128x128xf32, #tpu.memory_space<vmem>>)
    %dma_wait3A_167 = arith.constant 128 : i32
    %dma_wait3A_168 = arith.constant 0 : i32
    %dma_wait3A_169 = tpu.memref_slice %arg7[%dma_wait3A_167, %dma_wait3A_168] : memref<256x128xf32, #tpu.memory_space<vmem>> -> memref<128x128xf32, #tpu.memory_space<vmem>>
    %dma_wait3A_170 = arith.constant 896 : i32
    %dma_wait3A_171 = tpu.memref_slice %arg5[%dma_wait3A_170] : memref<2048xi32, #tpu.memory_space<vmem>> -> memref<128xi32, #tpu.memory_space<vmem>>
    %dma_wait3A_172 = arith.constant 0 : i32
    %dma_wait3A_173 = arith.constant 0 : i32
    %dma_wait3A_174 = tpu.memref_slice %arg2[%dma_wait3A_172, %dma_wait3A_173] : memref<30522x128xf32, #tpu.memory_space<hbm>> -> memref<30522x128xf32, #tpu.memory_space<hbm>>
    tpu.wait_indirect_dma semaphore(%arg9 : memref<!tpu.dma_semaphore, #tpu.memory_space<semaphore_mem>>) src(%dma_wait3A_174 : memref<30522x128xf32, #tpu.memory_space<hbm>>) dst(%dma_wait3A_169 : memref<128x128xf32, #tpu.memory_space<vmem>>)
    %add3A_175 = arith.constant 768 : i32
    %add3A_176 = arith.addi %mul3A_2, %add3A_175 : i32
    %dma_start3A_177 = arith.constant 0 : i32
    %dma_start3A_178 = tpu.memref_slice %arg4[%add3A_176, %dma_start3A_177] : memref<65536x128xf32, #tpu.memory_space<hbm>> -> memref<256x128xf32, #tpu.memory_space<hbm>>
    %dma_start3A_179 = arith.constant 0 : i32
    %dma_start3A_180 = tpu.memref_slice %arg4[%add3A_176, %dma_start3A_179] : memref<65536x128xf32, #tpu.memory_space<hbm>> -> memref<256x128xf32, #tpu.memory_space<hbm>>
    tpu.enqueue_dma source(%arg7 : memref<256x128xf32, #tpu.memory_space<vmem>>) target(%dma_start3A_180 : memref<256x128xf32, #tpu.memory_space<hbm>>) target_semaphore(%arg11 : memref<!tpu.dma_semaphore, #tpu.memory_space<semaphore_mem>>)
    %dma_wait3A_181 = arith.constant 0 : i32
    %dma_wait3A_182 = tpu.memref_slice %arg4[%add3A_176, %dma_wait3A_181] : memref<65536x128xf32, #tpu.memory_space<hbm>> -> memref<256x128xf32, #tpu.memory_space<hbm>>
    %dma_wait3A_183 = arith.constant 0 : i32
    %dma_wait3A_184 = tpu.memref_slice %arg4[%add3A_176, %dma_wait3A_183] : memref<65536x128xf32, #tpu.memory_space<hbm>> -> memref<256x128xf32, #tpu.memory_space<hbm>>
    tpu.wait_dma2 semaphore(%arg11 : memref<!tpu.dma_semaphore, #tpu.memory_space<semaphore_mem>>) src(%arg7 : memref<256x128xf32, #tpu.memory_space<vmem>>) dst(%dma_wait3A_184 : memref<256x128xf32, #tpu.memory_space<hbm>>)
    %dma_start3A_185 = arith.constant 0 : i32
    %dma_start3A_186 = arith.constant 0 : i32
    %dma_start3A_187 = tpu.memref_slice %arg7[%dma_start3A_185, %dma_start3A_186] : memref<256x128xf32, #tpu.memory_space<vmem>> -> memref<128x128xf32, #tpu.memory_space<vmem>>
    %dma_start3A_188 = arith.constant 1280 : i32
    %dma_start3A_189 = tpu.memref_slice %arg5[%dma_start3A_188] : memref<2048xi32, #tpu.memory_space<vmem>> -> memref<128xi32, #tpu.memory_space<vmem>>
    %dma_start3A_190 = arith.constant 0 : i32
    %dma_start3A_191 = arith.constant 0 : i32
    %dma_start3A_192 = tpu.memref_slice %arg2[%dma_start3A_190, %dma_start3A_191] : memref<30522x128xf32, #tpu.memory_space<hbm>> -> memref<30522x128xf32, #tpu.memory_space<hbm>>
    tpu.enqueue_indirect_dma source(%dma_start3A_192 : memref<30522x128xf32, #tpu.memory_space<hbm>>) target(%dma_start3A_187 : memref<128x128xf32, #tpu.memory_space<vmem>>) offsets(%dma_start3A_189 : memref<128xi32, #tpu.memory_space<vmem>>) semaphore(%arg9 : memref<!tpu.dma_semaphore, #tpu.memory_space<semaphore_mem>>)
    %dma_start3A_193 = arith.constant 128 : i32
    %dma_start3A_194 = arith.constant 0 : i32
    %dma_start3A_195 = tpu.memref_slice %arg7[%dma_start3A_193, %dma_start3A_194] : memref<256x128xf32, #tpu.memory_space<vmem>> -> memref<128x128xf32, #tpu.memory_space<vmem>>
    %dma_start3A_196 = arith.constant 1408 : i32
    %dma_start3A_197 = tpu.memref_slice %arg5[%dma_start3A_196] : memref<2048xi32, #tpu.memory_space<vmem>> -> memref<128xi32, #tpu.memory_space<vmem>>
    %dma_start3A_198 = arith.constant 0 : i32
    %dma_start3A_199 = arith.constant 0 : i32
    %dma_start3A_200 = tpu.memref_slice %arg2[%dma_start3A_198, %dma_start3A_199] : memref<30522x128xf32, #tpu.memory_space<hbm>> -> memref<30522x128xf32, #tpu.memory_space<hbm>>
    tpu.enqueue_indirect_dma source(%dma_start3A_200 : memref<30522x128xf32, #tpu.memory_space<hbm>>) target(%dma_start3A_195 : memref<128x128xf32, #tpu.memory_space<vmem>>) offsets(%dma_start3A_197 : memref<128xi32, #tpu.memory_space<vmem>>) semaphore(%arg9 : memref<!tpu.dma_semaphore, #tpu.memory_space<semaphore_mem>>)
    %dma_wait3A_201 = arith.constant 0 : i32
    %dma_wait3A_202 = arith.constant 0 : i32
    %dma_wait3A_203 = tpu.memref_slice %arg6[%dma_wait3A_201, %dma_wait3A_202] : memref<256x128xf32, #tpu.memory_space<vmem>> -> memref<128x128xf32, #tpu.memory_space<vmem>>
    %dma_wait3A_204 = arith.constant 1024 : i32
    %dma_wait3A_205 = tpu.memref_slice %arg5[%dma_wait3A_204] : memref<2048xi32, #tpu.memory_space<vmem>> -> memref<128xi32, #tpu.memory_space<vmem>>
    %dma_wait3A_206 = arith.constant 0 : i32
    %dma_wait3A_207 = arith.constant 0 : i32
    %dma_wait3A_208 = tpu.memref_slice %arg2[%dma_wait3A_206, %dma_wait3A_207] : memref<30522x128xf32, #tpu.memory_space<hbm>> -> memref<30522x128xf32, #tpu.memory_space<hbm>>
    tpu.wait_indirect_dma semaphore(%arg8 : memref<!tpu.dma_semaphore, #tpu.memory_space<semaphore_mem>>) src(%dma_wait3A_208 : memref<30522x128xf32, #tpu.memory_space<hbm>>) dst(%dma_wait3A_203 : memref<128x128xf32, #tpu.memory_space<vmem>>)
    %dma_wait3A_209 = arith.constant 128 : i32
    %dma_wait3A_210 = arith.constant 0 : i32
    %dma_wait3A_211 = tpu.memref_slice %arg6[%dma_wait3A_209, %dma_wait3A_210] : memref<256x128xf32, #tpu.memory_space<vmem>> -> memref<128x128xf32, #tpu.memory_space<vmem>>
    %dma_wait3A_212 = arith.constant 1152 : i32
    %dma_wait3A_213 = tpu.memref_slice %arg5[%dma_wait3A_212] : memref<2048xi32, #tpu.memory_space<vmem>> -> memref<128xi32, #tpu.memory_space<vmem>>
    %dma_wait3A_214 = arith.constant 0 : i32
    %dma_wait3A_215 = arith.constant 0 : i32
    %dma_wait3A_216 = tpu.memref_slice %arg2[%dma_wait3A_214, %dma_wait3A_215] : memref<30522x128xf32, #tpu.memory_space<hbm>> -> memref<30522x128xf32, #tpu.memory_space<hbm>>
    tpu.wait_indirect_dma semaphore(%arg8 : memref<!tpu.dma_semaphore, #tpu.memory_space<semaphore_mem>>) src(%dma_wait3A_216 : memref<30522x128xf32, #tpu.memory_space<hbm>>) dst(%dma_wait3A_211 : memref<128x128xf32, #tpu.memory_space<vmem>>)
    %add3A_217 = arith.constant 1024 : i32
    %add3A_218 = arith.addi %mul3A_2, %add3A_217 : i32
    %dma_start3A_219 = arith.constant 0 : i32
    %dma_start3A_220 = tpu.memref_slice %arg4[%add3A_218, %dma_start3A_219] : memref<65536x128xf32, #tpu.memory_space<hbm>> -> memref<256x128xf32, #tpu.memory_space<hbm>>
    %dma_start3A_221 = arith.constant 0 : i32
    %dma_start3A_222 = tpu.memref_slice %arg4[%add3A_218, %dma_start3A_221] : memref<65536x128xf32, #tpu.memory_space<hbm>> -> memref<256x128xf32, #tpu.memory_space<hbm>>
    tpu.enqueue_dma source(%arg6 : memref<256x128xf32, #tpu.memory_space<vmem>>) target(%dma_start3A_222 : memref<256x128xf32, #tpu.memory_space<hbm>>) target_semaphore(%arg10 : memref<!tpu.dma_semaphore, #tpu.memory_space<semaphore_mem>>)
    %dma_wait3A_223 = arith.constant 0 : i32
    %dma_wait3A_224 = tpu.memref_slice %arg4[%add3A_218, %dma_wait3A_223] : memref<65536x128xf32, #tpu.memory_space<hbm>> -> memref<256x128xf32, #tpu.memory_space<hbm>>
    %dma_wait3A_225 = arith.constant 0 : i32
    %dma_wait3A_226 = tpu.memref_slice %arg4[%add3A_218, %dma_wait3A_225] : memref<65536x128xf32, #tpu.memory_space<hbm>> -> memref<256x128xf32, #tpu.memory_space<hbm>>
    tpu.wait_dma2 semaphore(%arg10 : memref<!tpu.dma_semaphore, #tpu.memory_space<semaphore_mem>>) src(%arg6 : memref<256x128xf32, #tpu.memory_space<vmem>>) dst(%dma_wait3A_226 : memref<256x128xf32, #tpu.memory_space<hbm>>)
    %dma_start3A_227 = arith.constant 0 : i32
    %dma_start3A_228 = arith.constant 0 : i32
    %dma_start3A_229 = tpu.memref_slice %arg6[%dma_start3A_227, %dma_start3A_228] : memref<256x128xf32, #tpu.memory_space<vmem>> -> memref<128x128xf32, #tpu.memory_space<vmem>>
    %dma_start3A_230 = arith.constant 1536 : i32
    %dma_start3A_231 = tpu.memref_slice %arg5[%dma_start3A_230] : memref<2048xi32, #tpu.memory_space<vmem>> -> memref<128xi32, #tpu.memory_space<vmem>>
    %dma_start3A_232 = arith.constant 0 : i32
    %dma_start3A_233 = arith.constant 0 : i32
    %dma_start3A_234 = tpu.memref_slice %arg2[%dma_start3A_232, %dma_start3A_233] : memref<30522x128xf32, #tpu.memory_space<hbm>> -> memref<30522x128xf32, #tpu.memory_space<hbm>>
    tpu.enqueue_indirect_dma source(%dma_start3A_234 : memref<30522x128xf32, #tpu.memory_space<hbm>>) target(%dma_start3A_229 : memref<128x128xf32, #tpu.memory_space<vmem>>) offsets(%dma_start3A_231 : memref<128xi32, #tpu.memory_space<vmem>>) semaphore(%arg8 : memref<!tpu.dma_semaphore, #tpu.memory_space<semaphore_mem>>)
    %dma_start3A_235 = arith.constant 128 : i32
    %dma_start3A_236 = arith.constant 0 : i32
    %dma_start3A_237 = tpu.memref_slice %arg6[%dma_start3A_235, %dma_start3A_236] : memref<256x128xf32, #tpu.memory_space<vmem>> -> memref<128x128xf32, #tpu.memory_space<vmem>>
    %dma_start3A_238 = arith.constant 1664 : i32
    %dma_start3A_239 = tpu.memref_slice %arg5[%dma_start3A_238] : memref<2048xi32, #tpu.memory_space<vmem>> -> memref<128xi32, #tpu.memory_space<vmem>>
    %dma_start3A_240 = arith.constant 0 : i32
    %dma_start3A_241 = arith.constant 0 : i32
    %dma_start3A_242 = tpu.memref_slice %arg2[%dma_start3A_240, %dma_start3A_241] : memref<30522x128xf32, #tpu.memory_space<hbm>> -> memref<30522x128xf32, #tpu.memory_space<hbm>>
    tpu.enqueue_indirect_dma source(%dma_start3A_242 : memref<30522x128xf32, #tpu.memory_space<hbm>>) target(%dma_start3A_237 : memref<128x128xf32, #tpu.memory_space<vmem>>) offsets(%dma_start3A_239 : memref<128xi32, #tpu.memory_space<vmem>>) semaphore(%arg8 : memref<!tpu.dma_semaphore, #tpu.memory_space<semaphore_mem>>)
    %dma_wait3A_243 = arith.constant 0 : i32
    %dma_wait3A_244 = arith.constant 0 : i32
    %dma_wait3A_245 = tpu.memref_slice %arg7[%dma_wait3A_243, %dma_wait3A_244] : memref<256x128xf32, #tpu.memory_space<vmem>> -> memref<128x128xf32, #tpu.memory_space<vmem>>
    %dma_wait3A_246 = arith.constant 1280 : i32
    %dma_wait3A_247 = tpu.memref_slice %arg5[%dma_wait3A_246] : memref<2048xi32, #tpu.memory_space<vmem>> -> memref<128xi32, #tpu.memory_space<vmem>>
    %dma_wait3A_248 = arith.constant 0 : i32
    %dma_wait3A_249 = arith.constant 0 : i32
    %dma_wait3A_250 = tpu.memref_slice %arg2[%dma_wait3A_248, %dma_wait3A_249] : memref<30522x128xf32, #tpu.memory_space<hbm>> -> memref<30522x128xf32, #tpu.memory_space<hbm>>
    tpu.wait_indirect_dma semaphore(%arg9 : memref<!tpu.dma_semaphore, #tpu.memory_space<semaphore_mem>>) src(%dma_wait3A_250 : memref<30522x128xf32, #tpu.memory_space<hbm>>) dst(%dma_wait3A_245 : memref<128x128xf32, #tpu.memory_space<vmem>>)
    %dma_wait3A_251 = arith.constant 128 : i32
    %dma_wait3A_252 = arith.constant 0 : i32
    %dma_wait3A_253 = tpu.memref_slice %arg7[%dma_wait3A_251, %dma_wait3A_252] : memref<256x128xf32, #tpu.memory_space<vmem>> -> memref<128x128xf32, #tpu.memory_space<vmem>>
    %dma_wait3A_254 = arith.constant 1408 : i32
    %dma_wait3A_255 = tpu.memref_slice %arg5[%dma_wait3A_254] : memref<2048xi32, #tpu.memory_space<vmem>> -> memref<128xi32, #tpu.memory_space<vmem>>
    %dma_wait3A_256 = arith.constant 0 : i32
    %dma_wait3A_257 = arith.constant 0 : i32
    %dma_wait3A_258 = tpu.memref_slice %arg2[%dma_wait3A_256, %dma_wait3A_257] : memref<30522x128xf32, #tpu.memory_space<hbm>> -> memref<30522x128xf32, #tpu.memory_space<hbm>>
    tpu.wait_indirect_dma semaphore(%arg9 : memref<!tpu.dma_semaphore, #tpu.memory_space<semaphore_mem>>) src(%dma_wait3A_258 : memref<30522x128xf32, #tpu.memory_space<hbm>>) dst(%dma_wait3A_253 : memref<128x128xf32, #tpu.memory_space<vmem>>)
    %add3A_259 = arith.constant 1280 : i32
    %add3A_260 = arith.addi %mul3A_2, %add3A_259 : i32
    %dma_start3A_261 = arith.constant 0 : i32
    %dma_start3A_262 = tpu.memref_slice %arg4[%add3A_260, %dma_start3A_261] : memref<65536x128xf32, #tpu.memory_space<hbm>> -> memref<256x128xf32, #tpu.memory_space<hbm>>
    %dma_start3A_263 = arith.constant 0 : i32
    %dma_start3A_264 = tpu.memref_slice %arg4[%add3A_260, %dma_start3A_263] : memref<65536x128xf32, #tpu.memory_space<hbm>> -> memref<256x128xf32, #tpu.memory_space<hbm>>
    tpu.enqueue_dma source(%arg7 : memref<256x128xf32, #tpu.memory_space<vmem>>) target(%dma_start3A_264 : memref<256x128xf32, #tpu.memory_space<hbm>>) target_semaphore(%arg11 : memref<!tpu.dma_semaphore, #tpu.memory_space<semaphore_mem>>)
    %dma_wait3A_265 = arith.constant 0 : i32
    %dma_wait3A_266 = tpu.memref_slice %arg4[%add3A_260, %dma_wait3A_265] : memref<65536x128xf32, #tpu.memory_space<hbm>> -> memref<256x128xf32, #tpu.memory_space<hbm>>
    %dma_wait3A_267 = arith.constant 0 : i32
    %dma_wait3A_268 = tpu.memref_slice %arg4[%add3A_260, %dma_wait3A_267] : memref<65536x128xf32, #tpu.memory_space<hbm>> -> memref<256x128xf32, #tpu.memory_space<hbm>>
    tpu.wait_dma2 semaphore(%arg11 : memref<!tpu.dma_semaphore, #tpu.memory_space<semaphore_mem>>) src(%arg7 : memref<256x128xf32, #tpu.memory_space<vmem>>) dst(%dma_wait3A_268 : memref<256x128xf32, #tpu.memory_space<hbm>>)
    %dma_start3A_269 = arith.constant 0 : i32
    %dma_start3A_270 = arith.constant 0 : i32
    %dma_start3A_271 = tpu.memref_slice %arg7[%dma_start3A_269, %dma_start3A_270] : memref<256x128xf32, #tpu.memory_space<vmem>> -> memref<128x128xf32, #tpu.memory_space<vmem>>
    %dma_start3A_272 = arith.constant 1792 : i32
    %dma_start3A_273 = tpu.memref_slice %arg5[%dma_start3A_272] : memref<2048xi32, #tpu.memory_space<vmem>> -> memref<128xi32, #tpu.memory_space<vmem>>
    %dma_start3A_274 = arith.constant 0 : i32
    %dma_start3A_275 = arith.constant 0 : i32
    %dma_start3A_276 = tpu.memref_slice %arg2[%dma_start3A_274, %dma_start3A_275] : memref<30522x128xf32, #tpu.memory_space<hbm>> -> memref<30522x128xf32, #tpu.memory_space<hbm>>
    tpu.enqueue_indirect_dma source(%dma_start3A_276 : memref<30522x128xf32, #tpu.memory_space<hbm>>) target(%dma_start3A_271 : memref<128x128xf32, #tpu.memory_space<vmem>>) offsets(%dma_start3A_273 : memref<128xi32, #tpu.memory_space<vmem>>) semaphore(%arg9 : memref<!tpu.dma_semaphore, #tpu.memory_space<semaphore_mem>>)
    %dma_start3A_277 = arith.constant 128 : i32
    %dma_start3A_278 = arith.constant 0 : i32
    %dma_start3A_279 = tpu.memref_slice %arg7[%dma_start3A_277, %dma_start3A_278] : memref<256x128xf32, #tpu.memory_space<vmem>> -> memref<128x128xf32, #tpu.memory_space<vmem>>
    %dma_start3A_280 = arith.constant 1920 : i32
    %dma_start3A_281 = tpu.memref_slice %arg5[%dma_start3A_280] : memref<2048xi32, #tpu.memory_space<vmem>> -> memref<128xi32, #tpu.memory_space<vmem>>
    %dma_start3A_282 = arith.constant 0 : i32
    %dma_start3A_283 = arith.constant 0 : i32
    %dma_start3A_284 = tpu.memref_slice %arg2[%dma_start3A_282, %dma_start3A_283] : memref<30522x128xf32, #tpu.memory_space<hbm>> -> memref<30522x128xf32, #tpu.memory_space<hbm>>
    tpu.enqueue_indirect_dma source(%dma_start3A_284 : memref<30522x128xf32, #tpu.memory_space<hbm>>) target(%dma_start3A_279 : memref<128x128xf32, #tpu.memory_space<vmem>>) offsets(%dma_start3A_281 : memref<128xi32, #tpu.memory_space<vmem>>) semaphore(%arg9 : memref<!tpu.dma_semaphore, #tpu.memory_space<semaphore_mem>>)
    %dma_wait3A_285 = arith.constant 0 : i32
    %dma_wait3A_286 = arith.constant 0 : i32
    %dma_wait3A_287 = tpu.memref_slice %arg6[%dma_wait3A_285, %dma_wait3A_286] : memref<256x128xf32, #tpu.memory_space<vmem>> -> memref<128x128xf32, #tpu.memory_space<vmem>>
    %dma_wait3A_288 = arith.constant 1536 : i32
    %dma_wait3A_289 = tpu.memref_slice %arg5[%dma_wait3A_288] : memref<2048xi32, #tpu.memory_space<vmem>> -> memref<128xi32, #tpu.memory_space<vmem>>
    %dma_wait3A_290 = arith.constant 0 : i32
    %dma_wait3A_291 = arith.constant 0 : i32
    %dma_wait3A_292 = tpu.memref_slice %arg2[%dma_wait3A_290, %dma_wait3A_291] : memref<30522x128xf32, #tpu.memory_space<hbm>> -> memref<30522x128xf32, #tpu.memory_space<hbm>>
    tpu.wait_indirect_dma semaphore(%arg8 : memref<!tpu.dma_semaphore, #tpu.memory_space<semaphore_mem>>) src(%dma_wait3A_292 : memref<30522x128xf32, #tpu.memory_space<hbm>>) dst(%dma_wait3A_287 : memref<128x128xf32, #tpu.memory_space<vmem>>)
    %dma_wait3A_293 = arith.constant 128 : i32
    %dma_wait3A_294 = arith.constant 0 : i32
    %dma_wait3A_295 = tpu.memref_slice %arg6[%dma_wait3A_293, %dma_wait3A_294] : memref<256x128xf32, #tpu.memory_space<vmem>> -> memref<128x128xf32, #tpu.memory_space<vmem>>
    %dma_wait3A_296 = arith.constant 1664 : i32
    %dma_wait3A_297 = tpu.memref_slice %arg5[%dma_wait3A_296] : memref<2048xi32, #tpu.memory_space<vmem>> -> memref<128xi32, #tpu.memory_space<vmem>>
    %dma_wait3A_298 = arith.constant 0 : i32
    %dma_wait3A_299 = arith.constant 0 : i32
    %dma_wait3A_300 = tpu.memref_slice %arg2[%dma_wait3A_298, %dma_wait3A_299] : memref<30522x128xf32, #tpu.memory_space<hbm>> -> memref<30522x128xf32, #tpu.memory_space<hbm>>
    tpu.wait_indirect_dma semaphore(%arg8 : memref<!tpu.dma_semaphore, #tpu.memory_space<semaphore_mem>>) src(%dma_wait3A_300 : memref<30522x128xf32, #tpu.memory_space<hbm>>) dst(%dma_wait3A_295 : memref<128x128xf32, #tpu.memory_space<vmem>>)
    %add3A_301 = arith.constant 1536 : i32
    %add3A_302 = arith.addi %mul3A_2, %add3A_301 : i32
    %dma_start3A_303 = arith.constant 0 : i32
    %dma_start3A_304 = tpu.memref_slice %arg4[%add3A_302, %dma_start3A_303] : memref<65536x128xf32, #tpu.memory_space<hbm>> -> memref<256x128xf32, #tpu.memory_space<hbm>>
    %dma_start3A_305 = arith.constant 0 : i32
    %dma_start3A_306 = tpu.memref_slice %arg4[%add3A_302, %dma_start3A_305] : memref<65536x128xf32, #tpu.memory_space<hbm>> -> memref<256x128xf32, #tpu.memory_space<hbm>>
    tpu.enqueue_dma source(%arg6 : memref<256x128xf32, #tpu.memory_space<vmem>>) target(%dma_start3A_306 : memref<256x128xf32, #tpu.memory_space<hbm>>) target_semaphore(%arg10 : memref<!tpu.dma_semaphore, #tpu.memory_space<semaphore_mem>>)
    %dma_wait3A_307 = arith.constant 0 : i32
    %dma_wait3A_308 = arith.constant 0 : i32
    %dma_wait3A_309 = tpu.memref_slice %arg7[%dma_wait3A_307, %dma_wait3A_308] : memref<256x128xf32, #tpu.memory_space<vmem>> -> memref<128x128xf32, #tpu.memory_space<vmem>>
    %dma_wait3A_310 = arith.constant 1792 : i32
    %dma_wait3A_311 = tpu.memref_slice %arg5[%dma_wait3A_310] : memref<2048xi32, #tpu.memory_space<vmem>> -> memref<128xi32, #tpu.memory_space<vmem>>
    %dma_wait3A_312 = arith.constant 0 : i32
    %dma_wait3A_313 = arith.constant 0 : i32
    %dma_wait3A_314 = tpu.memref_slice %arg2[%dma_wait3A_312, %dma_wait3A_313] : memref<30522x128xf32, #tpu.memory_space<hbm>> -> memref<30522x128xf32, #tpu.memory_space<hbm>>
    tpu.wait_indirect_dma semaphore(%arg9 : memref<!tpu.dma_semaphore, #tpu.memory_space<semaphore_mem>>) src(%dma_wait3A_314 : memref<30522x128xf32, #tpu.memory_space<hbm>>) dst(%dma_wait3A_309 : memref<128x128xf32, #tpu.memory_space<vmem>>)
    %dma_wait3A_315 = arith.constant 128 : i32
    %dma_wait3A_316 = arith.constant 0 : i32
    %dma_wait3A_317 = tpu.memref_slice %arg7[%dma_wait3A_315, %dma_wait3A_316] : memref<256x128xf32, #tpu.memory_space<vmem>> -> memref<128x128xf32, #tpu.memory_space<vmem>>
    %dma_wait3A_318 = arith.constant 1920 : i32
    %dma_wait3A_319 = tpu.memref_slice %arg5[%dma_wait3A_318] : memref<2048xi32, #tpu.memory_space<vmem>> -> memref<128xi32, #tpu.memory_space<vmem>>
    %dma_wait3A_320 = arith.constant 0 : i32
    %dma_wait3A_321 = arith.constant 0 : i32
    %dma_wait3A_322 = tpu.memref_slice %arg2[%dma_wait3A_320, %dma_wait3A_321] : memref<30522x128xf32, #tpu.memory_space<hbm>> -> memref<30522x128xf32, #tpu.memory_space<hbm>>
    tpu.wait_indirect_dma semaphore(%arg9 : memref<!tpu.dma_semaphore, #tpu.memory_space<semaphore_mem>>) src(%dma_wait3A_322 : memref<30522x128xf32, #tpu.memory_space<hbm>>) dst(%dma_wait3A_317 : memref<128x128xf32, #tpu.memory_space<vmem>>)
    %add3A_323 = arith.constant 1792 : i32
    %add3A_324 = arith.addi %mul3A_2, %add3A_323 : i32
    %dma_start3A_325 = arith.constant 0 : i32
    %dma_start3A_326 = tpu.memref_slice %arg4[%add3A_324, %dma_start3A_325] : memref<65536x128xf32, #tpu.memory_space<hbm>> -> memref<256x128xf32, #tpu.memory_space<hbm>>
    %dma_start3A_327 = arith.constant 0 : i32
    %dma_start3A_328 = tpu.memref_slice %arg4[%add3A_324, %dma_start3A_327] : memref<65536x128xf32, #tpu.memory_space<hbm>> -> memref<256x128xf32, #tpu.memory_space<hbm>>
    tpu.enqueue_dma source(%arg7 : memref<256x128xf32, #tpu.memory_space<vmem>>) target(%dma_start3A_328 : memref<256x128xf32, #tpu.memory_space<hbm>>) target_semaphore(%arg11 : memref<!tpu.dma_semaphore, #tpu.memory_space<semaphore_mem>>)
    %dma_wait3A_329 = arith.constant 0 : i32
    %dma_wait3A_330 = tpu.memref_slice %arg4[%add3A_302, %dma_wait3A_329] : memref<65536x128xf32, #tpu.memory_space<hbm>> -> memref<256x128xf32, #tpu.memory_space<hbm>>
    %dma_wait3A_331 = arith.constant 0 : i32
    %dma_wait3A_332 = tpu.memref_slice %arg4[%add3A_302, %dma_wait3A_331] : memref<65536x128xf32, #tpu.memory_space<hbm>> -> memref<256x128xf32, #tpu.memory_space<hbm>>
    tpu.wait_dma2 semaphore(%arg10 : memref<!tpu.dma_semaphore, #tpu.memory_space<semaphore_mem>>) src(%arg6 : memref<256x128xf32, #tpu.memory_space<vmem>>) dst(%dma_wait3A_332 : memref<256x128xf32, #tpu.memory_space<hbm>>)
    %dma_wait3A_333 = arith.constant 0 : i32
    %dma_wait3A_334 = tpu.memref_slice %arg4[%add3A_324, %dma_wait3A_333] : memref<65536x128xf32, #tpu.memory_space<hbm>> -> memref<256x128xf32, #tpu.memory_space<hbm>>
    %dma_wait3A_335 = arith.constant 0 : i32
    %dma_wait3A_336 = tpu.memref_slice %arg4[%add3A_324, %dma_wait3A_335] : memref<65536x128xf32, #tpu.memory_space<hbm>> -> memref<256x128xf32, #tpu.memory_space<hbm>>
    tpu.wait_dma2 semaphore(%arg11 : memref<!tpu.dma_semaphore, #tpu.memory_space<semaphore_mem>>) src(%arg7 : memref<256x128xf32, #tpu.memory_space<vmem>>) dst(%dma_wait3A_336 : memref<256x128xf32, #tpu.memory_space<hbm>>)
    return
  }
}

module attributes {stable_mosaic.version = 14 : i64} {
  func.func @_tc_body(%arg0: i32, %arg1: memref<16x512x128xf32, #tpu.memory_space<vmem>>, %arg2: memref<512x128xf32, #tpu.memory_space<vmem>>, %arg3: memref<2x128xf32, #tpu.memory_space<vmem>>, %arg4: memref<128xf32, #tpu.memory_space<vmem>>, %arg5: memref<128xf32, #tpu.memory_space<vmem>>, %arg6: memref<128x256xf32, #tpu.memory_space<vmem>>, %arg7: memref<256xf32, #tpu.memory_space<vmem>>, %arg8: memref<16x512x256xf32, #tpu.memory_space<vmem>>) attributes {dimension_semantics = [#tpu.dimension_semantics<arbitrary>], iteration_bounds = array<i64: 8>, scalar_prefetch = 0 : i64, scratch_operands = 0 : i64, tpu.core_type = #tpu.core_type<tc>, window_params = [{transform_indices = @transform_0, window_bounds = array<i64: 16, 512, 128>}, {pipeline_mode = #tpu.pipeline_mode<synchronous>, transform_indices = @transform_1, window_bounds = array<i64: 512, 128>}, {pipeline_mode = #tpu.pipeline_mode<synchronous>, transform_indices = @transform_2, window_bounds = array<i64: 2, 128>}, {pipeline_mode = #tpu.pipeline_mode<synchronous>, transform_indices = @transform_3, window_bounds = array<i64: 128>}, {pipeline_mode = #tpu.pipeline_mode<synchronous>, transform_indices = @transform_4, window_bounds = array<i64: 128>}, {pipeline_mode = #tpu.pipeline_mode<synchronous>, transform_indices = @transform_5, window_bounds = array<i64: 128, 256>}, {pipeline_mode = #tpu.pipeline_mode<synchronous>, transform_indices = @transform_6, window_bounds = array<i64: 256>}, {transform_indices = @transform_7, window_bounds = array<i64: 16, 512, 256>}]} {
    %get3A = arith.constant 0 : index
    %get3A_0 = arith.constant 0 : index
    %get3A_1 = vector.load %arg3[%get3A, %get3A_0] : memref<2x128xf32, #tpu.memory_space<vmem>>, vector<2x128xf32>
    %get3A_2 = arith.constant 0 : index
    %get3A_3 = arith.constant 0 : index
    %get3A_4 = arith.constant 0 : index
    %get3A_5 = vector.load %arg1[%get3A_2, %get3A_3, %get3A_4] : memref<16x512x128xf32, #tpu.memory_space<vmem>>, vector<16x512x128xf32>
    %get3A_6 = arith.constant 0 : index
    %get3A_7 = arith.constant 0 : index
    %get3A_8 = vector.load %arg2[%get3A_6, %get3A_7] : memref<512x128xf32, #tpu.memory_space<vmem>>, vector<512x128xf32>
    %broadcast_in_dim3A = vector.shape_cast %get3A_8 : vector<512x128xf32> to vector<1x512x128xf32>
    %add3A = vector.broadcast %broadcast_in_dim3A : vector<1x512x128xf32> to vector<16x512x128xf32>
    %add3A_9 = arith.addf %get3A_5, %add3A : vector<16x512x128xf32>
    %slice3A = vector.extract_strided_slice %get3A_1 {offsets = [0, 0], sizes = [1, 128], strides = [1, 1]} : vector<2x128xf32> to vector<1x128xf32>
    %squeeze3A = vector.shape_cast %slice3A : vector<1x128xf32> to vector<128xf32>
    %broadcast_in_dim3A_10 = vector.shape_cast %squeeze3A : vector<128xf32> to vector<1x1x128xf32>
    %add3A_11 = vector.broadcast %broadcast_in_dim3A_10 : vector<1x1x128xf32> to vector<16x512x128xf32>
    %add3A_12 = arith.addf %add3A_9, %add3A_11 : vector<16x512x128xf32>
    %reduce_sum3A = arith.constant dense<0.000000e+00> : vector<16x512xf32>
    %reduce_sum3A_13 = vector.multi_reduction <add>, %add3A_12, %reduce_sum3A [2] : vector<16x512x128xf32> to vector<16x512xf32>
    %broadcast_in_dim3A_14 = vector.shape_cast %reduce_sum3A_13 : vector<16x512xf32> to vector<16x512x1xf32>
    %div3A = arith.constant 1.280000e+02 : f32
    %div3A_15 = vector.broadcast %div3A : f32 to vector<16x512x1xf32>
    %div3A_16 = arith.divf %broadcast_in_dim3A_14, %div3A_15 : vector<16x512x1xf32>
    %sub3A = vector.broadcast %div3A_16 : vector<16x512x1xf32> to vector<16x512x128xf32>
    %sub3A_17 = arith.subf %add3A_12, %sub3A : vector<16x512x128xf32>
    %mul3A = arith.mulf %sub3A_17, %sub3A_17 : vector<16x512x128xf32>
    %reduce_sum3A_18 = arith.constant dense<0.000000e+00> : vector<16x512xf32>
    %reduce_sum3A_19 = vector.multi_reduction <add>, %mul3A, %reduce_sum3A_18 [2] : vector<16x512x128xf32> to vector<16x512xf32>
    %broadcast_in_dim3A_20 = vector.shape_cast %reduce_sum3A_19 : vector<16x512xf32> to vector<16x512x1xf32>
    %div3A_21 = arith.constant 1.280000e+02 : f32
    %div3A_22 = vector.broadcast %div3A_21 : f32 to vector<16x512x1xf32>
    %div3A_23 = arith.divf %broadcast_in_dim3A_20, %div3A_22 : vector<16x512x1xf32>
    %add3A_24 = arith.constant 9.99999996E-13 : f32
    %add3A_25 = vector.broadcast %add3A_24 : f32 to vector<16x512x1xf32>
    %add3A_26 = arith.addf %div3A_23, %add3A_25 : vector<16x512x1xf32>
    %rsqrt3A = math.rsqrt %add3A_26 : vector<16x512x1xf32>
    %mul3A_27 = vector.broadcast %rsqrt3A : vector<16x512x1xf32> to vector<16x512x128xf32>
    %mul3A_28 = arith.mulf %sub3A_17, %mul3A_27 : vector<16x512x128xf32>
    %get3A_29 = arith.constant 0 : index
    %get3A_30 = vector.load %arg4[%get3A_29] : memref<128xf32, #tpu.memory_space<vmem>>, vector<128xf32>
    %broadcast_in_dim3A_31 = vector.shape_cast %get3A_30 : vector<128xf32> to vector<1x1x128xf32>
    %mul3A_32 = vector.broadcast %broadcast_in_dim3A_31 : vector<1x1x128xf32> to vector<16x512x128xf32>
    %mul3A_33 = arith.mulf %mul3A_28, %mul3A_32 : vector<16x512x128xf32>
    %get3A_34 = arith.constant 0 : index
    %get3A_35 = vector.load %arg5[%get3A_34] : memref<128xf32, #tpu.memory_space<vmem>>, vector<128xf32>
    %broadcast_in_dim3A_36 = vector.shape_cast %get3A_35 : vector<128xf32> to vector<1x1x128xf32>
    %add3A_37 = vector.broadcast %broadcast_in_dim3A_36 : vector<1x1x128xf32> to vector<16x512x128xf32>
    %add3A_38 = arith.addf %mul3A_33, %add3A_37 : vector<16x512x128xf32>
    %get3A_39 = arith.constant 0 : index
    %get3A_40 = arith.constant 0 : index
    %get3A_41 = vector.load %arg6[%get3A_39, %get3A_40] : memref<128x256xf32, #tpu.memory_space<vmem>>, vector<128x256xf32>
    %dot_general3A = arith.constant dense<0.000000e+00> : vector<16x512x256xf32>
    %dot_general3A_42 = tpu.matmul %add3A_38, %get3A_41, %dot_general3A {dimension_numbers = #tpu.dot_dimension_numbers<[2], [0], [0, 1], [1], [0, 0, 0, 1, 1, 1], [], []>, transpose_lhs_hint = false} : vector<16x512x128xf32>, vector<128x256xf32>, vector<16x512x256xf32> -> vector<16x512x256xf32>
    %get3A_43 = arith.constant 0 : index
    %get3A_44 = vector.load %arg7[%get3A_43] : memref<256xf32, #tpu.memory_space<vmem>>, vector<256xf32>
    %broadcast_in_dim3A_45 = vector.shape_cast %get3A_44 : vector<256xf32> to vector<1x1x256xf32>
    %add3A_46 = vector.broadcast %broadcast_in_dim3A_45 : vector<1x1x256xf32> to vector<16x512x256xf32>
    %add3A_47 = arith.addf %dot_general3A_42, %add3A_46 : vector<16x512x256xf32>
    %swap3A = arith.constant 0 : index
    %swap3A_48 = arith.constant 0 : index
    %swap3A_49 = arith.constant 0 : index
    %swap3A_50 = vector.load %arg8[%swap3A, %swap3A_48, %swap3A_49] : memref<16x512x256xf32, #tpu.memory_space<vmem>>, vector<16x512x256xf32>
    tpu.vector_store %arg8[%swap3A, %swap3A_48, %swap3A_49], %add3A_47 {strides = array<i32>} : memref<16x512x256xf32, #tpu.memory_space<vmem>>, vector<16x512x256xf32>,
    return
  }
  func.func @transform_0(%arg0: i32) -> (i32, i32, i32) {
    %c0_i32 = arith.constant 0 : i32
    %c0_i32_0 = arith.constant 0 : i32
    %c0_i32_1 = arith.constant 0 : i32
    return %arg0, %c0_i32, %c0_i32_0 : i32, i32, i32
  }
  func.func @transform_1(%arg0: i32) -> (i32, i32) {
    %c0_i32 = arith.constant 0 : i32
    %c0_i32_0 = arith.constant 0 : i32
    %c0_i32_1 = arith.constant 0 : i32
    return %c0_i32, %c0_i32_0 : i32, i32
  }
  func.func @transform_2(%arg0: i32) -> (i32, i32) {
    %c0_i32 = arith.constant 0 : i32
    %c0_i32_0 = arith.constant 0 : i32
    %c0_i32_1 = arith.constant 0 : i32
    return %c0_i32, %c0_i32_0 : i32, i32
  }
  func.func @transform_3(%arg0: i32) -> i32 {
    %c0_i32 = arith.constant 0 : i32
    %c0_i32_0 = arith.constant 0 : i32
    return %c0_i32 : i32
  }
  func.func @transform_4(%arg0: i32) -> i32 {
    %c0_i32 = arith.constant 0 : i32
    %c0_i32_0 = arith.constant 0 : i32
    return %c0_i32 : i32
  }
  func.func @transform_5(%arg0: i32) -> (i32, i32) {
    %c0_i32 = arith.constant 0 : i32
    %c0_i32_0 = arith.constant 0 : i32
    %c0_i32_1 = arith.constant 0 : i32
    return %c0_i32, %c0_i32_0 : i32, i32
  }
  func.func @transform_6(%arg0: i32) -> i32 {
    %c0_i32 = arith.constant 0 : i32
    %c0_i32_0 = arith.constant 0 : i32
    return %c0_i32 : i32
  }
  func.func @transform_7(%arg0: i32) -> (i32, i32, i32) {
    %c0_i32 = arith.constant 0 : i32
    %c0_i32_0 = arith.constant 0 : i32
    %c0_i32_1 = arith.constant 0 : i32
    return %arg0, %c0_i32, %c0_i32_0 : i32, i32, i32
  }
}

</mosaic_0001>

<sc_bundles>
// kernel: kernel.4.cloned.1.call-start
scs
__scs_entry_jumppad:
0x0: {  	(pc) =	sbr.rel $0x88, $3  }
0x1: {  	(tag) =	ssettag $0x0;
	lr =	simm.s32 $0x1  }
0x2: {  	[smem:$0x3F99] =	sst lr;
	_ =	strace $0xD0000000  }
0x3: {  	_ = 	snop  }
0x4: {  	_ = 	snop  }
0x5: {  	_ = 	snop  }
0x6: {  	_ = 	snop  }
0x7: {  	_ = 	snop  }
__scs_overlays_trampoline_lowered:
0x8: {  	[smem:$0x3FA8] =	sst s0  }
0x9: {  	[smem:$0x3FA9] =	sst s1  }
0xa: {  	[smem:$0x3FAA] =	sst s2  }
0xb: {  	[smem:$0x3FAB] =	sst s3  }
0xc: {  	[smem:$0x3FAC] =	sst s4  }
0xd: {  	[smem:$0x3FAD] =	sst s5  }
0xe: {  	[smem:$0x3FAE] =	sst s6  }
0xf: {  	[smem:$0x3FAF] =	sst s7  }
0x10: {  	[smem:$0x3FB0] =	sst s8  }
0x11: {  	[smem:$0x3FB1] =	sst s9;
	s0 =	simm.s32 @!p0 $0x0  }
0x12: {  	s1 =	sld [smem:$0x3F97];
	s0 =	simm.s32 @p0 $0x1  }
0x13: {  	[smem:$0x3FB2] =	sst s0;
	s0 =	simm.s32 @!p1 $0x0  }
0x14: {  	s2 =	sld [smem:$0x3F96];
	s0 =	simm.s32 @p1 $0x1  }
0x15: {  	[smem:$0x3FB3] =	sst s0;
	s0 =	simm.s32 @!p2 $0x0  }
0x16: {  	s3 =	sld [smem:$0x3FDB];
	s0 =	simm.s32 @p2 $0x1  }
0x17: {  	s4 =	simm.s32 $0x1BF5;
	[smem:$0x3FB5] =	sst s0  }
0x18: {  	s0 =	sld [smem:$0x3F98];
	_ =	swait.ge [sflag:s4], $0x0  }
0x19: {  	s7 =	sld [smem:$0x3F99]  }
0x1a: {  	s8 =	sadd.s32 $0xFFFFE003, lr  }
0x1b: {  	s9 =	sadd.s32 $0xFFFFFEF7, lr;
	s5 =	simm.s32 $0xFFFFFFFF;
	p2 =	slt.u32 s8, $0xFFFFF086  }
0x1c: {  	p1 =	slt.u32 s9, $0xF7A;
	s5 =	simm.s32 @!p2 $0x0  }
0x1d: {  	s5 =	simm.s32 @p1 $0x1;
	p0 =	seq.s32 s7, s2  }
0x1e: {  	s7 =	smul.u32 @!p0 $0xF7A, s2;
	p2 =	seq.s32 @!p0 s5, $0x0  }
0x1f: {  	s9 =	smul.u32 $0xF7A, s1;
	s8 =	simm.s32 @!p0 $0x1BF5;
	p2 =	por !p2, p0  }
0x20: {  	[sflag:s8] =	ssyncset.s32 @!p0 $0xFFFFF086;
	s6 =	sadd.s32 @!p0 s3, s7;
	s7 =	simm.s32 @!p0 $0x108  }
0x21: {  	s3 =	sadd.s32 s3, s9;
	s6 =	sadd.s32 @!p0 $0x88, s6;
	s7 =	simm.s32 @p2 $0x1082  }
0x22: {  	[simem:s7], [sflag:s8] =	dma.local @!p0 [hbm:s6], $0xF7A  }
0x23: {  	s9 =	sor.u32 $0xD0000000, s2;
	s6 =	simm.s32 $0x108;
	_ =	swait.ge @!p0 [sflag:s8], $0x0  }
0x24: {  	s3 =	sadd.s32 $0x88, s3;
	s6 =	simm.s32 @!p1 $0x1082;
	[sflag:s4] =	ssyncset.s32 $0xFFFFF086  }
0x25: {  	[simem:s6], [sflag:s4] =	dma.local [hbm:s3], $0xF7A  }
0x26: {  	[smem:$0x3F99] =	sst s1;
	(tag) =	ssettag s2;
	_ =	strace s9  }
0x27: {  	s1 =	sld [smem:$0x3FA9]  }
0x28: {  	s2 =	sld [smem:$0x3FAA]  }
0x29: {  	s4 =	sld [smem:$0x3FAC]  }
0x2a: {  	p0 =	seq.s32 s5, $0x0;
	s5 =	sld [smem:$0x3FAD]  }
0x2b: {  	s6 =	sld [smem:$0x3FAE]  }
0x2c: {  	s7 =	sld [smem:$0x3FAF]  }
0x2d: {  	s3 =	simm.s32 $0x108;
	s8 =	sld [smem:$0x3FB0]  }
0x2e: {  	s3 =	simm.s32 @!p0 $0x1082;
	s9 =	sld [smem:$0x3FB1]  }
0x2f: {  	lr =	sadd.s32 s0, s3;
	s0 =	sld [smem:$0x3FA8]  }
0x30: {  	s3 =	sld [smem:$0x3FAB]  }
0x31: {  	[smem:$0x3FB4] =	sst s10  }
0x32: {  	s10 =	sld [smem:$0x3FB2];
	_ =	sdelay $0x3  }
0x33: {  	p0 =	seq.s32 s10, $0x1;
	s10 =	sld [smem:$0x3FB4];
	_ =	sdelay $0x3  }
0x34: {  	[smem:$0x3FB4] =	sst s10  }
0x35: {  	s10 =	sld [smem:$0x3FB3];
	_ =	sdelay $0x3  }
0x36: {  	p1 =	seq.s32 s10, $0x1;
	s10 =	sld [smem:$0x3FB4];
	_ =	sdelay $0x3  }
0x37: {  	[smem:$0x3FB4] =	sst s10  }
0x38: {  	s10 =	sld [smem:$0x3FB5]  }
0x39: {  	_ = 	snop;
	(pc) =	sbr.ind lr, $3  }
0x3a: {  	_ = 	snop  }
0x3b: {  	_ = 	snop  }
0x3c: {  	p2 =	seq.s32 s10, $0x1;
	s10 =	sld [smem:$0x3FB4]  }
0x3d: {  	_ =	shalt  }
0x3e: {  	_ =	shalt  }
0x3f: {  	_ =	shalt  }
0x40: {  	_ =	shalt  }
0x41: {  	_ =	shalt  }
0x42: {  	_ =	shalt  }
0x43: {  	_ =	shalt  }
0x44: {  	_ =	shalt  }
0x45: {  	_ =	shalt  }
0x46: {  	_ =	shalt  }
0x47: {  	_ =	shalt  }
0x48: {  	_ =	shalt  }
0x49: {  	_ =	shalt  }
0x4a: {  	_ =	shalt  }
0x4b: {  	_ =	shalt  }
0x4c: {  	_ =	shalt  }
0x4d: {  	_ =	shalt  }
0x4e: {  	_ =	shalt  }
0x4f: {  	_ =	shalt  }
0x50: {  	_ =	shalt  }
0x51: {  	_ =	shalt  }
0x52: {  	_ =	shalt  }
0x53: {  	_ =	shalt  }
0x54: {  	_ =	shalt  }
0x55: {  	_ =	shalt  }
0x56: {  	_ =	shalt  }
0x57: {  	_ =	shalt  }
0x58: {  	_ =	shalt  }
0x59: {  	_ =	shalt  }
0x5a: {  	_ =	shalt  }
0x5b: {  	_ =	shalt  }
0x5c: {  	_ =	shalt  }
0x5d: {  	_ =	shalt  }
0x5e: {  	_ =	shalt  }
0x5f: {  	_ =	shalt  }
0x60: {  	_ =	shalt  }
0x61: {  	_ =	shalt  }
0x62: {  	_ =	shalt  }
0x63: {  	_ =	shalt  }
0x64: {  	_ =	shalt  }
0x65: {  	_ =	shalt  }
0x66: {  	_ =	shalt  }
0x67: {  	_ =	shalt  }
0x68: {  	_ =	shalt  }
0x69: {  	_ =	shalt  }
0x6a: {  	_ =	shalt  }
0x6b: {  	_ =	shalt  }
0x6c: {  	_ =	shalt  }
0x6d: {  	_ =	shalt  }
0x6e: {  	_ =	shalt  }
0x6f: {  	_ =	shalt  }
0x70: {  	_ =	shalt  }
0x71: {  	_ =	shalt  }
0x72: {  	_ =	shalt  }
0x73: {  	_ =	shalt  }
0x74: {  	_ =	shalt  }
0x75: {  	_ =	shalt  }
0x76: {  	_ =	shalt  }
0x77: {  	_ =	shalt  }
0x78: {  	_ =	shalt  }
0x79: {  	_ =	shalt  }
0x7a: {  	_ =	shalt  }
0x7b: {  	_ =	shalt  }
0x7c: {  	_ =	shalt  }
0x7d: {  	_ =	shalt  }
0x7e: {  	_ =	shalt  }
0x7f: {  	_ =	shalt  }
0x80: {  	_ =	shalt  }
0x81: {  	_ =	shalt  }
0x82: {  	_ =	shalt  }
0x83: {  	_ =	shalt  }
0x84: {  	_ =	shalt  }
0x85: {  	_ =	shalt  }
0x86: {  	_ =	shalt  }
0x87: {  	_ =	shalt  }
.Lfunc_end0:
.L_simem_size_0:
called_computation_lowered:
.L_overlay_start_0:
0x88: {  	s2 =	sld [smem:$0x3FD9]  }
0x89: {  	s3 =	sld [smem:$0x3FFE];
	_ =	sdelay $0x1  }
0x8a: {  	s1 =	srdreg.scid  }
0x8b: {  	s0 =	sand.u32 $0x1, s1  }
0x8c: {  	s17 =	sshll.u32 s0, $0xA;
	s2 =	sadd.s32 s3, s2  }
0x8d: {  	s2 =	sadd.s32 s2, s17  }
0x8e: {  	[smem:$0x3FC0] =	sst s2  }
0x8f: {  	_ = 	snop  }
0x90: {  	s2 =	sld [smem:$0x3FC8]  }
0x91: {  	s18 =	sld [smem:$0x3FD0];
	(tm) =	ssettm $0x1  }
0x92: {  	s4 =	sld [smem:$0x3FFB];
	_ =	sdelay $0x3  }
0x93: {  	_ =	strace s4  }
0x94: {  	s4 =	sld [smem:$0x3FFC];
	_ =	sdelay $0x3  }
0x95: {  	_ =	strace s4  }
0x96: {  	s4 =	sld [smem:$0x3FFD];
	_ =	sdelay $0x3  }
0x97: {  	_ =	strace s4  }
0x98: {  	_ =	strace $0x8FFFFFFF  }
0x99: {  	s19 =	sld [smem:$0x3FDB];
	_ =	sdelay $0x1  }
0x9a: {  	s5 =	simm.s32 $_scs_section_size  }
0x9b: {  	s6 =	simm.s32 $_size__tile_overlayer_lowered;
	s7 =	simm.s32 $_tile_overlayer_lowered  }
0x9c: {  	s22 =	simm.s32 $0x1BFF;
	s21 =	sshll.u32 s7, $0x1;
	s4 =	sadd.s32 s5, s19  }
0x9d: {  	s8 =	simm.s32 $0x0;
	s20 =	sshll.u32 s6, $0x1;
	s6 =	sadd.s32 s21, s4  }
0x9e: {  	[timem:s8], [sflag:s22] =	dma.local [hbm:s6], s20  }
0x9f: {  	_ =	swait.ge [sflag:s22], s20  }
0xa0: {  	s5 =	ssub.s32 $0x0, s20;
	[sflag:s22] =	ssyncset.done $0x0  }
0xa1: {  	[sflag:s22] =	ssyncadd.s32 s5;
	_ =	sdelay $0x1  }
0xa2: {  	s23 =	simm.s32 $0x1B8B  }
0xa3: {  	_ =	swait.ge [sflag:s23], $0x1  }
0xa4: {  	[sflag:s23] =	ssyncset.done $0x0  }
0xa5: {  	s25 =	simm.s32 $0x1B8E;
	s24 =	sld [smem:$0x3FFE];
	[sflag:s23] =	ssyncadd.s32 $0xFFFFFFFF  }
0xa6: {  	s26 =	simm.s32 $execute0_lowered;
	[smem:$0x3FD2] =	sst s25  }
0xa7: {  	s6 =	sshll.u32 s26, $0x1;
	_ =	strace $0x80000046;
	[dreg:$0x1] =	wrdreg $0xFFFFFFFF  }
0xa8: {  	s28 =	simm.s32 $_size_execute0_lowered;
	s4 =	sadd.s32 s4, s6;
	[dreg:$0x0] =	wrdreg $0x0  }
0xa9: {  	s6 =	sshll.u32 s28, $0x1;
	[dreg:$0x2] =	wrdreg s4  }
0xaa: {  	[dreg:$0x3] =	wrdreg s6  }
0xab: {  	[dreg:$0x4] =	wrdreg $0xC0  }
0xac: {  	_ =	task [dreg:s8], $0x5FFFF  }
0xad: {  	[dreg:$0x1] =	wrdreg $0xFFFFFFFF  }
0xae: {  	[dreg:$0x0] =	wrdreg $0x60  }
0xaf: {  	[dreg:$0x2] =	wrdreg s2  }
0xb0: {  	[dreg:$0x3] =	wrdreg s18  }
0xb1: {  	[dreg:$0x4] =	wrdreg s24  }
0xb2: {  	[dreg:$0x5] =	wrdreg $0x9  }
0xb3: {  	_ =	task.clear_ibuf [dreg:s8], $0x6FFFF;
	_ =	strace $0x90000046  }
0xb4: {  	s29 =	simm.s32 $0x9;
	_ =	strace $0x80000048  }
0xb5: {  	_ =	swait.ge [sflag:s29], $0x1  }
0xb6: {  	[sflag:s29] =	ssyncadd.s32 $0xFFFFFFFF  }
0xb7: {  	_ =	strace $0x90000048  }
0xb8: {  	_ =	sfence  }
0xb9: {  	s30 =	sld [smem:$0x0];
	_ =	sdelay $0x2  }
0xba: {  	s31 =	sshll.u32 s1, $0xD;
	s1 =	sshrl.u32 s1, $0x2  }
0xbb: {  	s3 =	sand.u32 $0x4000, s31;
	s1 =	sadd.s32 s1, s30  }
0xbc: {  	s0 =	sor.u32 s3, s0;
	s1 =	sshll.u32 s1, $0x11  }
0xbd: {  	s0 =	sor.u32 s1, s0  }
0xbe: {  	s0 =	sadd.s32 $0x8F2B, s0  }
0xbf: {  	[sflag:s0] =	ssyncadd.remote.s32 $0x1  }
0xc0: {  	_ =	sfence.sel $0xFFFF  }
0xc1: {  	[dreg:$0x0] =	wrdreg $0xFFFFFFFF;
	(pc) =	sbr.abs _section_cstart, $3  }
0xc2: {  	[dreg:$0x1] =	wrdreg $0xFFFFFFFF  }
0xc3: {  	_ =	task.clear_ibuf [dreg:s8], $0x2FFFF;
	_ =	strace $0x9FFFFFFF  }
0xc4: {  	(tm) =	ssettm $0x7FFFFFFF  }
0xc5: {  	_ =	shalt  }
tec
execute0_lowered:
.L_overlay_start_1:
0x0: {  	(tag) =	ssettag $0x1  }
0x1: {  	s3 =	rddreg [dreg:$0x0]  }
0x2: {  	s0 =	srdreg.scid;
	s1 =	rddreg [dreg:$0x1]  }
0x3: {  	s2 =	stileid.u32;
	s4 =	rddreg [dreg:$0x2];
	s29 =	simm.s32 $0x5  }
0x4: {  	s12 =	simm.s32 $0x80;
	s9 =	simm.s32 $0x800;
	s15 =	simm.s32 $0x4800  }
0x5: {  	s30 =	simm.s32 $0x100;
	s31 =	simm.s32 $0x180;
	s14 =	simm.s32 $0xC800  }
0x6: {  	s13 =	simm.s32 $0x1;
	s7 =	simm.s32 $0x3;
	s28 =	simm.s32 $0x280  }
0x7: {  	s10 =	simm.s32 $0x2;
	s8 =	simm.s32 $0x4;
	p0 =	por $0x0, $0x0  }
0x8: {  	s20 =	simm.s32 $0x500;
	s18 =	simm.s32 $0x600;
	s19 =	simm.s32 $0x680  }
0x9: {  	s16 =	simm.s32 $0x700;
	s17 =	simm.s32 $0x780;
	s0 =	sand.u32 $0x1, s0  }
0xa: {  	s5 =	sshll.u32 s2, $0xC;
	s2 =	simm.s32 $0x0;
	s6 =	sshll.u32 s0, $0xB  }
0xb: {  	[smem:$0x7FF] =	sst s2;
	s0 =	ssub.s32 $0x2, s0;
	s5 =	sor.u32 s6, s5  }
0xc: {  	_ =	strace $0x80000047;
	s24 =	sshrl.u32 s0, $0x1;
	s6 =	sshll.u32 s5, $0x4  }
0xd: {  	s5 =	sshrl.u32 s5, $0x3;
	s0 =	ssub.s32 s0, s24;
	s24 =	simm.s32 $0x300  }
0xe: {  	s4 =	sadd.s32 s6, s4;
	s1 =	sadd.s32 s1, s5;
	s0 =	smax.u32 s0, $0x1  }
0xf: {  	s6 =	simm.s32 $0x8800;
	[dreg:$0x4] =	wrdreg s1;
	s21 =	sadd.s32 $0x1000, s4  }
0x10: {  	s22 =	sadd.s32 $0x2000, s4;
	s23 =	sadd.s32 $0x3000, s4;
	[dreg:$0x5] =	wrdreg s21  }
0x11: {  	s25 =	sadd.s32 $0x4000, s4;
	p1 =	sne.s32 s0, $0x1;
	[dreg:$0x6] =	wrdreg s22  }
.Ltmp0:
0x12: {  	s26 =	sadd.s32 $0x5000, s4;
	[dreg:$0x7] =	wrdreg s23;
	(pc) =	sbr.rel @!p1 .LBB2_3-.Ltmp0, $4  }
0x13: {  	s11 =	sadd.s32 $0x6000, s4;
	s5 =	sadd.s32 $0x7000, s4;
	[dreg:$0x8] =	wrdreg s25  }
0x14: {  	s4 =	sadd.s32 $0x8000, s4;
	s1 =	sadd.s32 $0xFFFFFFFF, s0;
	[dreg:$0x9] =	wrdreg s26  }
0x15: {  	s26 =	simm.s32 $0x200;
	s25 =	simm.s32 $0x380;
	s22 =	simm.s32 $0x400  }
0x16: {  	s23 =	simm.s32 $0x480;
	s21 =	simm.s32 $0x580;
	s0 =	rddreg [dreg:$0x4]  }
0x17: {  	[tilespmem:s2], [sflag:$0x5] =	stream.linear.gather [hbm4b:s0+s2], $0x800, $0x38;
	[tilespmem:$0x10800] =	vst v63  }
0x18: {  	_ =	swait.ge [sflag:s29], $0x800  }
0x19: {  	[sflag:s29] =	ssyncset.done $0x0  }
0x1a: {  	[sflag:s29] =	ssyncadd.s32 $0xFFFFF800  }
0x1b: {  	[tilespmem:s9], [sflag:$0x1] =	stream.indirect.gather [hbm4b:s3+s12], $0x80, s2, s12, $0xb8;
	[tilespmem:$0x10800] =	vst v63  }
0x1c: {  	_ = 	snop  }
0x1d: {  	[tilespmem:s15], [sflag:$0x1] =	stream.indirect.gather [hbm4b:s3+s12], $0x80, s12, s12, $0xb8;
	[tilespmem:$0x10800] =	vst v63  }
0x1e: {  	_ = 	snop  }
0x1f: {  	[tilespmem:s6], [sflag:$0x2] =	stream.indirect.gather [hbm4b:s3+s12], $0x80, s30, s12, $0xb8;
	[tilespmem:$0x10800] =	vst v63  }
0x20: {  	_ = 	snop  }
0x21: {  	[tilespmem:s14], [sflag:$0x2] =	stream.indirect.gather [hbm4b:s3+s12], $0x80, s31, s12, $0xb8;
	[tilespmem:$0x10800] =	vst v63  }
0x22: {  	_ =	swait.ge [sflag:s13], $0x4000  }
0x23: {  	[sflag:s13] =	ssyncset.done $0x0  }
0x24: {  	[sflag:s13] =	ssyncadd.s32 $0xFFFFC000  }
0x25: {  	_ =	swait.ge [sflag:s13], $0x4000  }
0x26: {  	[sflag:s13] =	ssyncset.done $0x0  }
0x27: {  	s0 =	rddreg [dreg:$0x5];
	[sflag:s13] =	ssyncadd.s32 $0xFFFFC000  }
0x28: {  	[hbm4b:s0+s2] =	stream.linear.scatter [tilespmem:s9], [sflag:$0x3], $0x8000, $0x38;
	[tilespmem:$0x10800] =	vst v63  }
0x29: {  	_ =	swait.ge [sflag:s7], $0x8000  }
0x2a: {  	[sflag:s7] =	ssyncset.done $0x0  }
0x2b: {  	[sflag:s7] =	ssyncadd.s32 $0xFFFF8000  }
0x2c: {  	[tilespmem:s9], [sflag:$0x1] =	stream.indirect.gather [hbm4b:s3+s12], $0x80, s26, s12, $0xb8;
	[tilespmem:$0x10800] =	vst v63  }
0x2d: {  	_ = 	snop  }
0x2e: {  	[tilespmem:s15], [sflag:$0x1] =	stream.indirect.gather [hbm4b:s3+s12], $0x80, s28, s12, $0xb8;
	[tilespmem:$0x10800] =	vst v63  }
0x2f: {  	_ =	swait.ge [sflag:s10], $0x4000  }
0x30: {  	[sflag:s10] =	ssyncset.done $0x0  }
0x31: {  	[sflag:s10] =	ssyncadd.s32 $0xFFFFC000  }
0x32: {  	_ =	swait.ge [sflag:s10], $0x4000  }
0x33: {  	[sflag:s10] =	ssyncset.done $0x0  }
0x34: {  	s0 =	rddreg [dreg:$0x6];
	[sflag:s10] =	ssyncadd.s32 $0xFFFFC000  }
0x35: {  	[hbm4b:s0+s2] =	stream.linear.scatter [tilespmem:s6], [sflag:$0x4], $0x8000, $0x38;
	[tilespmem:$0x10800] =	vst v63  }
0x36: {  	_ =	swait.ge [sflag:s8], $0x8000  }
0x37: {  	[sflag:s8] =	ssyncset.done $0x0  }
0x38: {  	[sflag:s8] =	ssyncadd.s32 $0xFFFF8000  }
0x39: {  	[tilespmem:s6], [sflag:$0x2] =	stream.indirect.gather [hbm4b:s3+s12], $0x80, s24, s12, $0xb8;
	[tilespmem:$0x10800] =	vst v63  }
0x3a: {  	_ = 	snop  }
0x3b: {  	[tilespmem:s14], [sflag:$0x2] =	stream.indirect.gather [hbm4b:s3+s12], $0x80, s25, s12, $0xb8;
	[tilespmem:$0x10800] =	vst v63  }
0x3c: {  	_ =	swait.ge [sflag:s13], $0x4000  }
0x3d: {  	[sflag:s13] =	ssyncset.done $0x0  }
0x3e: {  	[sflag:s13] =	ssyncadd.s32 $0xFFFFC000  }
0x3f: {  	_ =	swait.ge [sflag:s13], $0x4000  }
0x40: {  	[sflag:s13] =	ssyncset.done $0x0  }
0x41: {  	s0 =	rddreg [dreg:$0x7];
	[sflag:s13] =	ssyncadd.s32 $0xFFFFC000  }
0x42: {  	[hbm4b:s0+s2] =	stream.linear.scatter [tilespmem:s9], [sflag:$0x3], $0x8000, $0x38;
	[tilespmem:$0x10800] =	vst v63  }
0x43: {  	_ =	swait.ge [sflag:s7], $0x8000  }
0x44: {  	[sflag:s7] =	ssyncset.done $0x0  }
0x45: {  	[sflag:s7] =	ssyncadd.s32 $0xFFFF8000  }
0x46: {  	[tilespmem:s9], [sflag:$0x1] =	stream.indirect.gather [hbm4b:s3+s12], $0x80, s22, s12, $0xb8;
	[tilespmem:$0x10800] =	vst v63  }
0x47: {  	_ = 	snop  }
0x48: {  	[tilespmem:s15], [sflag:$0x1] =	stream.indirect.gather [hbm4b:s3+s12], $0x80, s23, s12, $0xb8;
	[tilespmem:$0x10800] =	vst v63  }
0x49: {  	_ =	swait.ge [sflag:s10], $0x4000  }
0x4a: {  	[sflag:s10] =	ssyncset.done $0x0  }
0x4b: {  	[sflag:s10] =	ssyncadd.s32 $0xFFFFC000  }
0x4c: {  	_ =	swait.ge [sflag:s10], $0x4000  }
0x4d: {  	[sflag:s10] =	ssyncset.done $0x0  }
0x4e: {  	s0 =	rddreg [dreg:$0x8];
	[sflag:s10] =	ssyncadd.s32 $0xFFFFC000  }
0x4f: {  	[hbm4b:s0+s2] =	stream.linear.scatter [tilespmem:s6], [sflag:$0x4], $0x8000, $0x38;
	[tilespmem:$0x10800] =	vst v63  }
0x50: {  	_ =	swait.ge [sflag:s8], $0x8000  }
0x51: {  	[sflag:s8] =	ssyncset.done $0x0  }
0x52: {  	[sflag:s8] =	ssyncadd.s32 $0xFFFF8000  }
0x53: {  	[tilespmem:s6], [sflag:$0x2] =	stream.indirect.gather [hbm4b:s3+s12], $0x80, s20, s12, $0xb8;
	[tilespmem:$0x10800] =	vst v63  }
0x54: {  	_ = 	snop  }
0x55: {  	[tilespmem:s14], [sflag:$0x2] =	stream.indirect.gather [hbm4b:s3+s12], $0x80, s21, s12, $0xb8;
	[tilespmem:$0x10800] =	vst v63  }
0x56: {  	_ =	swait.ge [sflag:s13], $0x4000  }
0x57: {  	[sflag:s13] =	ssyncset.done $0x0  }
0x58: {  	[sflag:s13] =	ssyncadd.s32 $0xFFFFC000  }
0x59: {  	_ =	swait.ge [sflag:s13], $0x4000  }
0x5a: {  	[sflag:s13] =	ssyncset.done $0x0  }
0x5b: {  	s0 =	rddreg [dreg:$0x9];
	[sflag:s13] =	ssyncadd.s32 $0xFFFFC000  }
0x5c: {  	[hbm4b:s0+s2] =	stream.linear.scatter [tilespmem:s9], [sflag:$0x3], $0x8000, $0x38;
	[tilespmem:$0x10800] =	vst v63  }
0x5d: {  	_ =	swait.ge [sflag:s7], $0x8000  }
0x5e: {  	[sflag:s7] =	ssyncset.done $0x0  }
0x5f: {  	[sflag:s7] =	ssyncadd.s32 $0xFFFF8000  }
0x60: {  	[tilespmem:s9], [sflag:$0x1] =	stream.indirect.gather [hbm4b:s3+s12], $0x80, s18, s12, $0xb8;
	[tilespmem:$0x10800] =	vst v63  }
0x61: {  	_ = 	snop  }
0x62: {  	[tilespmem:s15], [sflag:$0x1] =	stream.indirect.gather [hbm4b:s3+s12], $0x80, s19, s12, $0xb8;
	[tilespmem:$0x10800] =	vst v63  }
0x63: {  	_ =	swait.ge [sflag:s10], $0x4000  }
0x64: {  	[sflag:s10] =	ssyncset.done $0x0  }
0x65: {  	[sflag:s10] =	ssyncadd.s32 $0xFFFFC000  }
0x66: {  	_ =	swait.ge [sflag:s10], $0x4000  }
0x67: {  	[sflag:s10] =	ssyncset.done $0x0  }
0x68: {  	[sflag:s10] =	ssyncadd.s32 $0xFFFFC000  }
0x69: {  	[hbm4b:s11+s2] =	stream.linear.scatter [tilespmem:s6], [sflag:$0x4], $0x8000, $0x38;
	[tilespmem:$0x10800] =	vst v63  }
0x6a: {  	_ =	swait.ge [sflag:s8], $0x8000  }
0x6b: {  	[sflag:s8] =	ssyncset.done $0x0  }
0x6c: {  	[sflag:s8] =	ssyncadd.s32 $0xFFFF8000  }
0x6d: {  	[tilespmem:s6], [sflag:$0x2] =	stream.indirect.gather [hbm4b:s3+s12], $0x80, s16, s12, $0xb8;
	[tilespmem:$0x10800] =	vst v63  }
0x6e: {  	_ = 	snop  }
0x6f: {  	[tilespmem:s14], [sflag:$0x2] =	stream.indirect.gather [hbm4b:s3+s12], $0x80, s17, s12, $0xb8;
	[tilespmem:$0x10800] =	vst v63  }
0x70: {  	_ =	swait.ge [sflag:s13], $0x4000  }
0x71: {  	[sflag:s13] =	ssyncset.done $0x0  }
0x72: {  	[sflag:s13] =	ssyncadd.s32 $0xFFFFC000  }
0x73: {  	_ =	swait.ge [sflag:s13], $0x4000  }
0x74: {  	[sflag:s13] =	ssyncset.done $0x0  }
0x75: {  	[sflag:s13] =	ssyncadd.s32 $0xFFFFC000  }
0x76: {  	[hbm4b:s5+s2] =	stream.linear.scatter [tilespmem:s9], [sflag:$0x3], $0x8000, $0x38;
	[tilespmem:$0x10800] =	vst v63  }
0x77: {  	_ =	swait.ge [sflag:s10], $0x4000  }
0x78: {  	[sflag:s10] =	ssyncset.done $0x0  }
0x79: {  	[sflag:s10] =	ssyncadd.s32 $0xFFFFC000  }
0x7a: {  	_ =	swait.ge [sflag:s10], $0x4000  }
0x7b: {  	[sflag:s10] =	ssyncset.done $0x0  }
0x7c: {  	p1 =	sne.s32 s1, $0x1;
	[sflag:s10] =	ssyncadd.s32 $0xFFFFC000  }
0x7d: {  	[hbm4b:s4+s2] =	stream.linear.scatter [tilespmem:s6], [sflag:$0x4], $0x8000, $0x38;
	[tilespmem:$0x10800] =	vst v63  }
.Ltmp1:
0x7e: {  	_ =	swait.ge [sflag:s7], $0x8000;
	(pc) =	sbr.rel @!p1 .LBB2_3-.Ltmp1, $4  }
0x7f: {  	[sflag:s7] =	ssyncset.done $0x0  }
0x80: {  	[sflag:s7] =	ssyncadd.s32 $0xFFFF8000  }
0x81: {  	s1 =	sadd.s32 $0xFFFFFFFF, s1;
	_ =	swait.ge [sflag:s8], $0x8000  }
0x82: {  	p0 =	por $0x1, $0x1;
	s0 =	rddreg [dreg:$0x4];
	[sflag:s8] =	ssyncset.done $0x0  }
.LBB2_2:
0x83: {  	[sflag:s8] =	ssyncadd.s32 $0xFFFF8000  }
0x84: {  	[tilespmem:s2], [sflag:$0x5] =	stream.linear.gather [hbm4b:s0+s2], $0x800, $0x38;
	[tilespmem:$0x10800] =	vst v63  }
0x85: {  	_ =	swait.ge [sflag:s29], $0x800  }
0x86: {  	[sflag:s29] =	ssyncset.done $0x0  }
0x87: {  	[sflag:s29] =	ssyncadd.s32 $0xFFFFF800  }
0x88: {  	[tilespmem:s9], [sflag:$0x1] =	stream.indirect.gather [hbm4b:s3+s12], $0x80, s2, s12, $0xb8;
	[tilespmem:$0x10800] =	vst v63  }
0x89: {  	_ = 	snop  }
0x8a: {  	[tilespmem:s15], [sflag:$0x1] =	stream.indirect.gather [hbm4b:s3+s12], $0x80, s12, s12, $0xb8;
	[tilespmem:$0x10800] =	vst v63  }
0x8b: {  	_ = 	snop  }
0x8c: {  	[tilespmem:s6], [sflag:$0x2] =	stream.indirect.gather [hbm4b:s3+s12], $0x80, s30, s12, $0xb8;
	[tilespmem:$0x10800] =	vst v63  }
0x8d: {  	_ = 	snop  }
0x8e: {  	[tilespmem:s14], [sflag:$0x2] =	stream.indirect.gather [hbm4b:s3+s12], $0x80, s31, s12, $0xb8;
	[tilespmem:$0x10800] =	vst v63  }
0x8f: {  	_ =	swait.ge [sflag:s13], $0x4000  }
0x90: {  	[sflag:s13] =	ssyncset.done $0x0  }
0x91: {  	[sflag:s13] =	ssyncadd.s32 $0xFFFFC000  }
0x92: {  	_ =	swait.ge [sflag:s13], $0x4000  }
0x93: {  	[sflag:s13] =	ssyncset.done $0x0  }
0x94: {  	s0 =	rddreg [dreg:$0x5];
	[sflag:s13] =	ssyncadd.s32 $0xFFFFC000  }
0x95: {  	[hbm4b:s0+s2] =	stream.linear.scatter [tilespmem:s9], [sflag:$0x3], $0x8000, $0x38;
	[tilespmem:$0x10800] =	vst v63  }
0x96: {  	_ =	swait.ge [sflag:s7], $0x8000  }
0x97: {  	[sflag:s7] =	ssyncset.done $0x0  }
0x98: {  	[sflag:s7] =	ssyncadd.s32 $0xFFFF8000  }
0x99: {  	[tilespmem:s9], [sflag:$0x1] =	stream.indirect.gather [hbm4b:s3+s12], $0x80, s26, s12, $0xb8;
	[tilespmem:$0x10800] =	vst v63  }
0x9a: {  	_ = 	snop  }
0x9b: {  	[tilespmem:s15], [sflag:$0x1] =	stream.indirect.gather [hbm4b:s3+s12], $0x80, s28, s12, $0xb8;
	[tilespmem:$0x10800] =	vst v63  }
0x9c: {  	_ =	swait.ge [sflag:s10], $0x4000  }
0x9d: {  	[sflag:s10] =	ssyncset.done $0x0  }
0x9e: {  	[sflag:s10] =	ssyncadd.s32 $0xFFFFC000  }
0x9f: {  	_ =	swait.ge [sflag:s10], $0x4000  }
0xa0: {  	[sflag:s10] =	ssyncset.done $0x0  }
0xa1: {  	s0 =	rddreg [dreg:$0x6];
	[sflag:s10] =	ssyncadd.s32 $0xFFFFC000  }
0xa2: {  	[hbm4b:s0+s2] =	stream.linear.scatter [tilespmem:s6], [sflag:$0x4], $0x8000, $0x38;
	[tilespmem:$0x10800] =	vst v63  }
0xa3: {  	_ =	swait.ge [sflag:s8], $0x8000  }
0xa4: {  	[sflag:s8] =	ssyncset.done $0x0  }
0xa5: {  	[sflag:s8] =	ssyncadd.s32 $0xFFFF8000  }
0xa6: {  	[tilespmem:s6], [sflag:$0x2] =	stream.indirect.gather [hbm4b:s3+s12], $0x80, s24, s12, $0xb8;
	[tilespmem:$0x10800] =	vst v63  }
0xa7: {  	_ = 	snop  }
0xa8: {  	[tilespmem:s14], [sflag:$0x2] =	stream.indirect.gather [hbm4b:s3+s12], $0x80, s25, s12, $0xb8;
	[tilespmem:$0x10800] =	vst v63  }
0xa9: {  	_ =	swait.ge [sflag:s13], $0x4000  }
0xaa: {  	[sflag:s13] =	ssyncset.done $0x0  }
0xab: {  	[sflag:s13] =	ssyncadd.s32 $0xFFFFC000  }
0xac: {  	_ =	swait.ge [sflag:s13], $0x4000  }
0xad: {  	[sflag:s13] =	ssyncset.done $0x0  }
0xae: {  	s0 =	rddreg [dreg:$0x7];
	[sflag:s13] =	ssyncadd.s32 $0xFFFFC000  }
0xaf: {  	[hbm4b:s0+s2] =	stream.linear.scatter [tilespmem:s9], [sflag:$0x3], $0x8000, $0x38;
	[tilespmem:$0x10800] =	vst v63  }
0xb0: {  	_ =	swait.ge [sflag:s7], $0x8000  }
0xb1: {  	[sflag:s7] =	ssyncset.done $0x0  }
0xb2: {  	[sflag:s7] =	ssyncadd.s32 $0xFFFF8000  }
0xb3: {  	[tilespmem:s9], [sflag:$0x1] =	stream.indirect.gather [hbm4b:s3+s12], $0x80, s22, s12, $0xb8;
	[tilespmem:$0x10800] =	vst v63  }
0xb4: {  	_ = 	snop  }
0xb5: {  	[tilespmem:s15], [sflag:$0x1] =	stream.indirect.gather [hbm4b:s3+s12], $0x80, s23, s12, $0xb8;
	[tilespmem:$0x10800] =	vst v63  }
0xb6: {  	_ =	swait.ge [sflag:s10], $0x4000  }
0xb7: {  	[sflag:s10] =	ssyncset.done $0x0  }
0xb8: {  	[sflag:s10] =	ssyncadd.s32 $0xFFFFC000  }
0xb9: {  	_ =	swait.ge [sflag:s10], $0x4000  }
0xba: {  	[sflag:s10] =	ssyncset.done $0x0  }
0xbb: {  	s0 =	rddreg [dreg:$0x8];
	[sflag:s10] =	ssyncadd.s32 $0xFFFFC000  }
0xbc: {  	[hbm4b:s0+s2] =	stream.linear.scatter [tilespmem:s6], [sflag:$0x4], $0x8000, $0x38;
	[tilespmem:$0x10800] =	vst v63  }
0xbd: {  	_ =	swait.ge [sflag:s8], $0x8000  }
0xbe: {  	[sflag:s8] =	ssyncset.done $0x0  }
0xbf: {  	[sflag:s8] =	ssyncadd.s32 $0xFFFF8000  }
0xc0: {  	[tilespmem:s6], [sflag:$0x2] =	stream.indirect.gather [hbm4b:s3+s12], $0x80, s20, s12, $0xb8;
	[tilespmem:$0x10800] =	vst v63  }
0xc1: {  	_ = 	snop  }
0xc2: {  	[tilespmem:s14], [sflag:$0x2] =	stream.indirect.gather [hbm4b:s3+s12], $0x80, s21, s12, $0xb8;
	[tilespmem:$0x10800] =	vst v63  }
0xc3: {  	_ =	swait.ge [sflag:s13], $0x4000  }
0xc4: {  	[sflag:s13] =	ssyncset.done $0x0  }
0xc5: {  	[sflag:s13] =	ssyncadd.s32 $0xFFFFC000  }
0xc6: {  	_ =	swait.ge [sflag:s13], $0x4000  }
0xc7: {  	[sflag:s13] =	ssyncset.done $0x0  }
0xc8: {  	s0 =	rddreg [dreg:$0x9];
	[sflag:s13] =	ssyncadd.s32 $0xFFFFC000  }
0xc9: {  	[hbm4b:s0+s2] =	stream.linear.scatter [tilespmem:s9], [sflag:$0x3], $0x8000, $0x38;
	[tilespmem:$0x10800] =	vst v63  }
0xca: {  	_ =	swait.ge [sflag:s7], $0x8000  }
0xcb: {  	[sflag:s7] =	ssyncset.done $0x0  }
0xcc: {  	[sflag:s7] =	ssyncadd.s32 $0xFFFF8000  }
0xcd: {  	[tilespmem:s9], [sflag:$0x1] =	stream.indirect.gather [hbm4b:s3+s12], $0x80, s18, s12, $0xb8;
	[tilespmem:$0x10800] =	vst v63  }
0xce: {  	_ = 	snop  }
0xcf: {  	[tilespmem:s15], [sflag:$0x1] =	stream.indirect.gather [hbm4b:s3+s12], $0x80, s19, s12, $0xb8;
	[tilespmem:$0x10800] =	vst v63  }
0xd0: {  	_ =	swait.ge [sflag:s10], $0x4000  }
0xd1: {  	[sflag:s10] =	ssyncset.done $0x0  }
0xd2: {  	[sflag:s10] =	ssyncadd.s32 $0xFFFFC000  }
0xd3: {  	_ =	swait.ge [sflag:s10], $0x4000  }
0xd4: {  	[sflag:s10] =	ssyncset.done $0x0  }
0xd5: {  	[sflag:s10] =	ssyncadd.s32 $0xFFFFC000  }
0xd6: {  	[hbm4b:s11+s2] =	stream.linear.scatter [tilespmem:s6], [sflag:$0x4], $0x8000, $0x38;
	[tilespmem:$0x10800] =	vst v63  }
0xd7: {  	_ =	swait.ge [sflag:s8], $0x8000  }
0xd8: {  	[sflag:s8] =	ssyncset.done $0x0  }
0xd9: {  	[sflag:s8] =	ssyncadd.s32 $0xFFFF8000  }
0xda: {  	[tilespmem:s6], [sflag:$0x2] =	stream.indirect.gather [hbm4b:s3+s12], $0x80, s16, s12, $0xb8;
	[tilespmem:$0x10800] =	vst v63  }
0xdb: {  	_ = 	snop  }
0xdc: {  	[tilespmem:s14], [sflag:$0x2] =	stream.indirect.gather [hbm4b:s3+s12], $0x80, s17, s12, $0xb8;
	[tilespmem:$0x10800] =	vst v63  }
0xdd: {  	_ =	swait.ge [sflag:s13], $0x4000  }
0xde: {  	[sflag:s13] =	ssyncset.done $0x0  }
0xdf: {  	[sflag:s13] =	ssyncadd.s32 $0xFFFFC000  }
0xe0: {  	_ =	swait.ge [sflag:s13], $0x4000  }
0xe1: {  	[sflag:s13] =	ssyncset.done $0x0  }
0xe2: {  	[sflag:s13] =	ssyncadd.s32 $0xFFFFC000  }
0xe3: {  	[hbm4b:s5+s2] =	stream.linear.scatter [tilespmem:s9], [sflag:$0x3], $0x8000, $0x38;
	[tilespmem:$0x10800] =	vst v63  }
0xe4: {  	_ =	swait.ge [sflag:s10], $0x4000  }
0xe5: {  	[sflag:s10] =	ssyncset.done $0x0  }
0xe6: {  	[sflag:s10] =	ssyncadd.s32 $0xFFFFC000  }
0xe7: {  	_ =	swait.ge [sflag:s10], $0x4000  }
0xe8: {  	[sflag:s10] =	ssyncset.done $0x0  }
0xe9: {  	p1 =	sne.s32 s1, $0x1;
	[sflag:s10] =	ssyncadd.s32 $0xFFFFC000  }
0xea: {  	[hbm4b:s4+s2] =	stream.linear.scatter [tilespmem:s6], [sflag:$0x4], $0x8000, $0x38;
	[tilespmem:$0x10800] =	vst v63  }
.Ltmp2:
0xeb: {  	_ =	swait.ge [sflag:s7], $0x8000;
	(pc) =	sbr.rel @p1 .LBB2_2-.Ltmp2, $4  }
0xec: {  	[sflag:s7] =	ssyncset.done $0x0  }
0xed: {  	[sflag:s7] =	ssyncadd.s32 $0xFFFF8000  }
0xee: {  	_ =	swait.ge [sflag:s8], $0x8000  }
0xef: {  	s1 =	sadd.s32 $0xFFFFFFFF, s1;
	s0 =	rddreg [dreg:$0x4];
	[sflag:s8] =	ssyncset.done $0x0  }
.LBB2_3:
0xf0: {  	[sflag:s8] =	ssyncadd.s32 @p0 $0xFFFF8000  }
0xf1: {  	[tilespmem:s2], [sflag:$0x5] =	stream.linear.gather [hbm4b:s0+s2], $0x800, $0x38;
	[tilespmem:$0x10800] =	vst v63  }
0xf2: {  	_ =	swait.ge [sflag:s29], $0x800  }
0xf3: {  	[sflag:s29] =	ssyncset.done $0x0  }
0xf4: {  	[sflag:s29] =	ssyncadd.s32 $0xFFFFF800  }
0xf5: {  	[tilespmem:s9], [sflag:$0x1] =	stream.indirect.gather [hbm4b:s3+s12], $0x80, s2, s12, $0xb8;
	[tilespmem:$0x10800] =	vst v63  }
0xf6: {  	_ = 	snop  }
0xf7: {  	[tilespmem:s15], [sflag:$0x1] =	stream.indirect.gather [hbm4b:s3+s12], $0x80, s12, s12, $0xb8;
	[tilespmem:$0x10800] =	vst v63  }
0xf8: {  	_ = 	snop  }
0xf9: {  	[tilespmem:s6], [sflag:$0x2] =	stream.indirect.gather [hbm4b:s3+s12], $0x80, s30, s12, $0xb8;
	[tilespmem:$0x10800] =	vst v63  }
0xfa: {  	_ = 	snop  }
0xfb: {  	[tilespmem:s14], [sflag:$0x2] =	stream.indirect.gather [hbm4b:s3+s12], $0x80, s31, s12, $0xb8;
	[tilespmem:$0x10800] =	vst v63  }
0xfc: {  	_ =	swait.ge [sflag:s13], $0x4000  }
0xfd: {  	[sflag:s13] =	ssyncset.done $0x0  }
0xfe: {  	[sflag:s13] =	ssyncadd.s32 $0xFFFFC000  }
0xff: {  	_ =	swait.ge [sflag:s13], $0x4000  }
0x100: {  	[sflag:s13] =	ssyncset.done $0x0  }
0x101: {  	s1 =	rddreg [dreg:$0x5];
	[sflag:s13] =	ssyncadd.s32 $0xFFFFC000  }
0x102: {  	[hbm4b:s1+s2] =	stream.linear.scatter [tilespmem:s9], [sflag:$0x3], $0x8000, $0x38;
	[tilespmem:$0x10800] =	vst v63  }
0x103: {  	_ =	swait.ge [sflag:s7], $0x8000  }
0x104: {  	[sflag:s7] =	ssyncset.done $0x0  }
0x105: {  	[sflag:s7] =	ssyncadd.s32 $0xFFFF8000  }
0x106: {  	[tilespmem:s9], [sflag:$0x1] =	stream.indirect.gather [hbm4b:s3+s12], $0x80, s26, s12, $0xb8;
	[tilespmem:$0x10800] =	vst v63  }
0x107: {  	_ = 	snop  }
0x108: {  	[tilespmem:s15], [sflag:$0x1] =	stream.indirect.gather [hbm4b:s3+s12], $0x80, s28, s12, $0xb8;
	[tilespmem:$0x10800] =	vst v63  }
0x109: {  	_ =	swait.ge [sflag:s10], $0x4000  }
0x10a: {  	[sflag:s10] =	ssyncset.done $0x0  }
0x10b: {  	[sflag:s10] =	ssyncadd.s32 $0xFFFFC000  }
0x10c: {  	_ =	swait.ge [sflag:s10], $0x4000  }
0x10d: {  	[sflag:s10] =	ssyncset.done $0x0  }
0x10e: {  	s26 =	rddreg [dreg:$0x6];
	[sflag:s10] =	ssyncadd.s32 $0xFFFFC000  }
0x10f: {  	[hbm4b:s26+s2] =	stream.linear.scatter [tilespmem:s6], [sflag:$0x4], $0x8000, $0x38;
	[tilespmem:$0x10800] =	vst v63  }
0x110: {  	_ =	swait.ge [sflag:s8], $0x8000  }
0x111: {  	[sflag:s8] =	ssyncset.done $0x0  }
0x112: {  	[sflag:s8] =	ssyncadd.s32 $0xFFFF8000  }
0x113: {  	[tilespmem:s6], [sflag:$0x2] =	stream.indirect.gather [hbm4b:s3+s12], $0x80, s24, s12, $0xb8;
	[tilespmem:$0x10800] =	vst v63  }
0x114: {  	_ = 	snop  }
0x115: {  	[tilespmem:s14], [sflag:$0x2] =	stream.indirect.gather [hbm4b:s3+s12], $0x80, s25, s12, $0xb8;
	[tilespmem:$0x10800] =	vst v63  }
0x116: {  	_ =	swait.ge [sflag:s13], $0x4000  }
0x117: {  	[sflag:s13] =	ssyncset.done $0x0  }
0x118: {  	[sflag:s13] =	ssyncadd.s32 $0xFFFFC000  }
0x119: {  	_ =	swait.ge [sflag:s13], $0x4000  }
0x11a: {  	[sflag:s13] =	ssyncset.done $0x0  }
0x11b: {  	s28 =	rddreg [dreg:$0x7];
	[sflag:s13] =	ssyncadd.s32 $0xFFFFC000  }
0x11c: {  	[hbm4b:s28+s2] =	stream.linear.scatter [tilespmem:s9], [sflag:$0x3], $0x8000, $0x38;
	[tilespmem:$0x10800] =	vst v63  }
0x11d: {  	_ =	swait.ge [sflag:s7], $0x8000  }
0x11e: {  	[sflag:s7] =	ssyncset.done $0x0  }
0x11f: {  	[sflag:s7] =	ssyncadd.s32 $0xFFFF8000  }
0x120: {  	[tilespmem:s9], [sflag:$0x1] =	stream.indirect.gather [hbm4b:s3+s12], $0x80, s22, s12, $0xb8;
	[tilespmem:$0x10800] =	vst v63  }
0x121: {  	_ = 	snop  }
0x122: {  	[tilespmem:s15], [sflag:$0x1] =	stream.indirect.gather [hbm4b:s3+s12], $0x80, s23, s12, $0xb8;
	[tilespmem:$0x10800] =	vst v63  }
0x123: {  	_ =	swait.ge [sflag:s10], $0x4000  }
0x124: {  	[sflag:s10] =	ssyncset.done $0x0  }
0x125: {  	[sflag:s10] =	ssyncadd.s32 $0xFFFFC000  }
0x126: {  	_ =	swait.ge [sflag:s10], $0x4000  }
0x127: {  	[sflag:s10] =	ssyncset.done $0x0  }
0x128: {  	s29 =	rddreg [dreg:$0x8];
	[sflag:s10] =	ssyncadd.s32 $0xFFFFC000  }
0x129: {  	[hbm4b:s29+s2] =	stream.linear.scatter [tilespmem:s6], [sflag:$0x4], $0x8000, $0x38;
	[tilespmem:$0x10800] =	vst v63  }
0x12a: {  	_ =	swait.ge [sflag:s8], $0x8000  }
0x12b: {  	[sflag:s8] =	ssyncset.done $0x0  }
0x12c: {  	[sflag:s8] =	ssyncadd.s32 $0xFFFF8000  }
0x12d: {  	[tilespmem:s6], [sflag:$0x2] =	stream.indirect.gather [hbm4b:s3+s12], $0x80, s20, s12, $0xb8;
	[tilespmem:$0x10800] =	vst v63  }
0x12e: {  	_ = 	snop  }
0x12f: {  	[tilespmem:s14], [sflag:$0x2] =	stream.indirect.gather [hbm4b:s3+s12], $0x80, s21, s12, $0xb8;
	[tilespmem:$0x10800] =	vst v63  }
0x130: {  	_ =	swait.ge [sflag:s13], $0x4000  }
0x131: {  	[sflag:s13] =	ssyncset.done $0x0  }
0x132: {  	[sflag:s13] =	ssyncadd.s32 $0xFFFFC000  }
0x133: {  	_ =	swait.ge [sflag:s13], $0x4000  }
0x134: {  	[sflag:s13] =	ssyncset.done $0x0  }
0x135: {  	s30 =	rddreg [dreg:$0x9];
	[sflag:s13] =	ssyncadd.s32 $0xFFFFC000  }
0x136: {  	[hbm4b:s30+s2] =	stream.linear.scatter [tilespmem:s9], [sflag:$0x3], $0x8000, $0x38;
	[tilespmem:$0x10800] =	vst v63  }
0x137: {  	_ =	swait.ge [sflag:s7], $0x8000  }
0x138: {  	[sflag:s7] =	ssyncset.done $0x0  }
0x139: {  	[sflag:s7] =	ssyncadd.s32 $0xFFFF8000  }
0x13a: {  	[tilespmem:s9], [sflag:$0x1] =	stream.indirect.gather [hbm4b:s3+s12], $0x80, s18, s12, $0xb8;
	[tilespmem:$0x10800] =	vst v63  }
0x13b: {  	_ = 	snop  }
0x13c: {  	[tilespmem:s15], [sflag:$0x1] =	stream.indirect.gather [hbm4b:s3+s12], $0x80, s19, s12, $0xb8;
	[tilespmem:$0x10800] =	vst v63  }
0x13d: {  	_ =	swait.ge [sflag:s10], $0x4000  }
0x13e: {  	[sflag:s10] =	ssyncset.done $0x0  }
0x13f: {  	[sflag:s10] =	ssyncadd.s32 $0xFFFFC000  }
0x140: {  	_ =	swait.ge [sflag:s10], $0x4000  }
0x141: {  	[sflag:s10] =	ssyncset.done $0x0  }
0x142: {  	[sflag:s10] =	ssyncadd.s32 $0xFFFFC000  }
0x143: {  	[hbm4b:s11+s2] =	stream.linear.scatter [tilespmem:s6], [sflag:$0x4], $0x8000, $0x38;
	[tilespmem:$0x10800] =	vst v63  }
0x144: {  	_ =	swait.ge [sflag:s8], $0x8000  }
0x145: {  	[sflag:s8] =	ssyncset.done $0x0  }
0x146: {  	[sflag:s8] =	ssyncadd.s32 $0xFFFF8000  }
0x147: {  	[tilespmem:s6], [sflag:$0x2] =	stream.indirect.gather [hbm4b:s3+s12], $0x80, s16, s12, $0xb8;
	[tilespmem:$0x10800] =	vst v63  }
0x148: {  	_ = 	snop  }
0x149: {  	[tilespmem:s14], [sflag:$0x2] =	stream.indirect.gather [hbm4b:s3+s12], $0x80, s17, s12, $0xb8;
	[tilespmem:$0x10800] =	vst v63  }
0x14a: {  	_ =	swait.ge [sflag:s13], $0x4000  }
0x14b: {  	[sflag:s13] =	ssyncset.done $0x0  }
0x14c: {  	[sflag:s13] =	ssyncadd.s32 $0xFFFFC000  }
0x14d: {  	_ =	swait.ge [sflag:s13], $0x4000  }
0x14e: {  	[sflag:s13] =	ssyncset.done $0x0  }
0x14f: {  	[sflag:s13] =	ssyncadd.s32 $0xFFFFC000  }
0x150: {  	[hbm4b:s5+s2] =	stream.linear.scatter [tilespmem:s9], [sflag:$0x3], $0x8000, $0x38;
	[tilespmem:$0x10800] =	vst v63  }
0x151: {  	_ =	swait.ge [sflag:s10], $0x4000  }
0x152: {  	[sflag:s10] =	ssyncset.done $0x0  }
0x153: {  	[sflag:s10] =	ssyncadd.s32 $0xFFFFC000  }
0x154: {  	_ =	swait.ge [sflag:s10], $0x4000  }
0x155: {  	[sflag:s10] =	ssyncset.done $0x0  }
0x156: {  	[sflag:s10] =	ssyncadd.s32 $0xFFFFC000  }
0x157: {  	[hbm4b:s4+s2] =	stream.linear.scatter [tilespmem:s6], [sflag:$0x4], $0x8000, $0x38;
	[tilespmem:$0x10800] =	vst v63  }
0x158: {  	_ =	swait.ge [sflag:s7], $0x8000  }
0x159: {  	[sflag:s7] =	ssyncset.done $0x0  }
0x15a: {  	[sflag:s7] =	ssyncadd.s32 $0xFFFF8000  }
0x15b: {  	_ =	swait.ge [sflag:s8], $0x8000  }
0x15c: {  	[sflag:s8] =	ssyncset.done $0x0  }
0x15d: {  	[sflag:s8] =	ssyncadd.s32 $0xFFFF8000  }
0x15e: {  	_ =	sfence.sel $0x180000  }
0x15f: {  	[bflag:$0x0] =	sbarrier.arrive $0xFFFF  }
0x160: {  	_ =	strace $0x90000047  }
0x161: {  	s31 =	stileid.u32;
	[bflag:$0x2] =	sbarrier.arrive $0xFFFF  }
0x162: {  	p0 =	sne.s32 s31, $0x0;
	s0 =	rddreg [dreg:$0x3]  }
0x163: {  	s0 =	sadd.s32 @!p0 $0x100000, s0  }
0x164: {  	[sflag:s0] =	ssyncadd.tile.s32 @!p0 $0x1;
	_ =	shalt  }
.Lfunc_end2:
_tile_overlayer_lowered:
.L_overlay_start_2:
0x165: {  	(tag) =	ssettag $0x2  }
0x166: {  	s0 =	rddreg [dreg:$0x0];
	s2 =	stileid.u32  }
0x167: {  	s1 =	rddreg [dreg:$0x1];
	p0 =	sne.s32 s2, $0x0  }
0x168: {  	s3 =	rddreg [dreg:$0x2];
	[bflag:$0x3] =	sbarrier.arrive $0xFFFF;
	s2 =	simm.s32 @!p0 $0x1C05  }
0x169: {  	[timem:s3], [sflag:s2] =	dma.local @!p0 [hbm:s0], s1  }
0x16a: {  	s0 =	simm.s32 @!p0 $0x5  }
0x16b: {  	_ =	swait.ge @!p0 [sflag:s0], s1  }
0x16c: {  	s1 =	ssub.s32 @!p0 $0x0, s1;
	[sflag:s0] =	ssyncset.done @!p0 $0x0  }
0x16d: {  	[sflag:s0] =	ssyncadd.s32 @!p0 s1  }
0x16e: {  	[bflag:$0x3] =	sbarrier.arrive $0xFFFF  }
0x16f: {  	_ =	shalt  }

</sc_bundles>
